<compile_context>
chip_gen: v7x
topology: tpu7x:2x2x1
jax: 0.10.2.dev20260603
libtpu: 0.0.44.dev20260713+nightly
codegen_flags: <defaults>
</compile_context>

<pallas_src>
import functools

import jax
import jax.numpy as jnp
from jax.experimental import pallas as pl
from jax.experimental.pallas import tpu as pltpu
from jax.experimental.pallas import tpu_sc as plsc

DIM = 768
H = 12
HD = 64
E_ATT = 16
E_FFD = 8
K_FFD = 2
HIDDEN = 1536
TASKS = 9

BT_ATT = 1024
EP_ATT = 2

_b16 = jnp.bfloat16
_f32 = jnp.float32


def _layernorm(x, g, b):
    m = jnp.mean(x, axis=-1, keepdims=True)
    v = jnp.var(x, axis=-1, keepdims=True)
    return (x - m) / jnp.sqrt(v + 1e-5) * g + b


def _task_gating(xf, Wg, bg, k, n_experts):
    logits2 = xf @ Wg + bg
    logits = logits2[:, :n_experts]
    probs = jax.nn.softmax(logits, axis=-1)
    top_vals, top_idx = jax.lax.top_k(probs, k)
    gates = top_vals / (jnp.sum(top_vals, axis=-1, keepdims=True) + 1e-6)
    gmask = jax.nn.one_hot(top_idx, n_experts, dtype=xf.dtype) * gates[:, :, None]
    return jnp.sum(gmask, axis=1), gates, top_idx



def _proj_body(xn_ref, w_ref, b_ref, out_ref):
    o = jax.lax.dot_general(xn_ref[...], w_ref[...],
                            (((1,), (0,)), ((), ())),
                            preferred_element_type=_f32)
    out_ref[...] = (o + b_ref[...]).astype(_b16)



def _attn_body(q_ref, kt_ref, v_ref, g_ref, wo_ref, x_ref, out_ref):
    ep = pl.program_id(1)
    scale = HD ** (-0.5)
    lanes = jax.lax.broadcasted_iota(jnp.int32, (BT_ATT, E_ATT), 1)
    acc = None
    for j in range(EP_ATT):
        e = ep * EP_ATT + j
        q = q_ref[:, j * HD:(j + 1) * HD]
        s = jax.lax.dot_general(q, kt_ref[...],
                                (((1,), (0,)), ((), ())),
                                preferred_element_type=_f32)
        p = jnp.exp(s * scale)
        denom = jnp.sum(p, axis=-1, keepdims=True)
        o = jax.lax.dot_general(p.astype(_b16), v_ref[...],
                                (((1,), (0,)), ((), ())),
                                preferred_element_type=_f32)
        o = o * (1.0 / denom)
        ge = jnp.sum(jnp.where(lanes == e, g_ref[...], 0.0), axis=1, keepdims=True)
        z = ge.astype(_b16).astype(_f32) * o.astype(_b16).astype(_f32)
        part = jax.lax.dot_general(z.astype(_b16), wo_ref[j],
                                   (((1,), (0,)), ((), ())),
                                   preferred_element_type=_f32)
        acc = part if acc is None else acc + part

    @pl.when(ep == 0)
    def _init():
        out_ref[...] = x_ref[...] + acc

    @pl.when(ep > 0)
    def _acc():
        out_ref[...] += acc



_SC_WORKERS = 32


def _gather_rows(table, idx):
    V, D = table.shape
    B = idx.shape[0]
    b_per_w = B // _SC_WORKERS
    n_chunks = 1
    while (b_per_w // n_chunks) * D > 131000 or b_per_w % n_chunks:
        n_chunks += 1
    rows_c = b_per_w // n_chunks
    mesh = plsc.VectorSubcoreMesh(core_axis_name="c", subcore_axis_name="s")

    @functools.partial(
        pl.kernel, mesh=mesh,
        out_type=jax.ShapeDtypeStruct((B, D), jnp.float32),
        scratch_types=[
            pltpu.VMEM((rows_c,), jnp.int32),
            pltpu.VMEM((rows_c, D), jnp.float32),
            pltpu.SemaphoreType.DMA,
        ],
    )
    def k(table_hbm, idx_hbm, out_hbm, idx_v, rows_v, sem):
        wid = jax.lax.axis_index("s") * 2 + jax.lax.axis_index("c")
        for c in range(n_chunks):
            base = wid * b_per_w + c * rows_c
            pltpu.sync_copy(idx_hbm.at[pl.ds(base, rows_c)], idx_v)
            pltpu.async_copy(table_hbm.at[idx_v], rows_v, sem).wait()
            pltpu.sync_copy(rows_v, out_hbm.at[pl.ds(base, rows_c)])

    return k(table, idx)


def _scatter_dispatch(x2, slot_even, slot_odd, s_pad):
    T, D = x2.shape
    t_per_w = T // _SC_WORKERS
    mesh = plsc.VectorSubcoreMesh(core_axis_name="c", subcore_axis_name="s")

    @functools.partial(
        pl.kernel, mesh=mesh,
        out_type=jax.ShapeDtypeStruct((s_pad, D), jnp.float32),
        scratch_types=[
            pltpu.VMEM((t_per_w,), jnp.int32),
            pltpu.VMEM((t_per_w, D), jnp.float32),
            pltpu.SemaphoreType.DMA,
        ],
    )
    def k(x2_hbm, se_hbm, so_hbm, out_hbm, idx_v, rows_v, sem):
        wid = jax.lax.axis_index("s") * 2 + jax.lax.axis_index("c")
        base = wid * t_per_w
        pltpu.sync_copy(x2_hbm.at[pl.ds(base, t_per_w)], rows_v)
        pltpu.sync_copy(se_hbm.at[pl.ds(base, t_per_w)], idx_v)
        pltpu.async_copy(rows_v, out_hbm.at[idx_v], sem).wait()
        pltpu.sync_copy(so_hbm.at[pl.ds(base, t_per_w)], idx_v)
        pltpu.async_copy(rows_v, out_hbm.at[idx_v], sem).wait()

    return k(x2, slot_even, slot_odd)



BT_G = 256
S_PAD = 6144
NB_G = S_PAD // BT_G


def _gmm_body(be_ref, xg_ref, w1_ref, b1_ref, w2_ref, b2_ref, y_ref):
    h = jax.lax.dot_general(xg_ref[...].astype(_b16), w1_ref[0],
                            (((1,), (0,)), ((), ())),
                            preferred_element_type=_f32)
    h = h + b1_ref[0]
    h = 0.5 * h * (1.0 + jax.lax.erf(h * (2.0 ** -0.5)))
    part = jax.lax.dot_general(h.astype(_b16), w2_ref[0],
                               (((1,), (0,)), ((), ())),
                               preferred_element_type=_f32)
    y_ref[...] = part + b2_ref[0]


def _combine_body(xm_ref, g_ref, y0_ref, y1_ref, out_ref):
    BT = xm_ref.shape[0]
    lanes = jax.lax.broadcasted_iota(jnp.int32, (BT, 8), 1)
    g0 = jnp.sum(jnp.where(lanes == 0, g_ref[...], 0.0), axis=1, keepdims=True)
    g1 = jnp.sum(jnp.where(lanes == 1, g_ref[...], 0.0), axis=1, keepdims=True)
    c0 = g0.astype(_b16).astype(_f32) * y0_ref[...].astype(_b16).astype(_f32)
    c1 = g1.astype(_b16).astype(_f32) * y1_ref[...].astype(_b16).astype(_f32)
    out_ref[...] = xm_ref[...] + (c0 + c1)


def kernel(x, task_bh, norm1_g, norm1_b, Wg_att, bg_att, We_att, Wo_att, kv_W, kv_b, norm2_g, norm2_b, Wg_mlp, bg_mlp, W1, b1, W2, b2):
    B, N, C = x.shape
    T = B * N
    xf_in = x.reshape(T, C)

    xn = _layernorm(xf_in, norm1_g, norm1_b)
    g_att, _, _ = _task_gating(xn, Wg_att[task_bh], bg_att[task_bh], H, E_ATT)
    xn_b = xn.astype(_b16)

    w_cat = jnp.concatenate([
        We_att.transpose(1, 0, 2).reshape(C, E_ATT * HD),
        kv_W,
    ], axis=1).astype(_b16)
    b_cat = jnp.concatenate([jnp.zeros((E_ATT * HD,), _f32), kv_b]).reshape(1, -1)

    proj = pl.pallas_call(
        _proj_body,
        in_specs=[
            pl.BlockSpec((T, C), lambda: (0, 0)),
            pl.BlockSpec((C, E_ATT * HD + 2 * HD), lambda: (0, 0)),
            pl.BlockSpec((1, E_ATT * HD + 2 * HD), lambda: (0, 0)),
        ],
        out_specs=pl.BlockSpec((T, E_ATT * HD + 2 * HD), lambda: (0, 0)),
        out_shape=jax.ShapeDtypeStruct((T, E_ATT * HD + 2 * HD), _b16),
    )(xn_b, w_cat, b_cat)

    kT = proj[:, E_ATT * HD:E_ATT * HD + HD].T
    v_b = proj[:, E_ATT * HD + HD:]

    x_mid = pl.pallas_call(
        _attn_body,
        grid=(T // BT_ATT, E_ATT // EP_ATT),
        in_specs=[
            pl.BlockSpec((BT_ATT, EP_ATT * HD), lambda t, e: (t, e)),
            pl.BlockSpec((HD, T), lambda t, e: (0, 0)),
            pl.BlockSpec((T, HD), lambda t, e: (0, 0)),
            pl.BlockSpec((BT_ATT, E_ATT), lambda t, e: (t, 0)),
            pl.BlockSpec((EP_ATT, HD, C), lambda t, e: (e, 0, 0)),
            pl.BlockSpec((BT_ATT, C), lambda t, e: (t, 0)),
        ],
        out_specs=pl.BlockSpec((BT_ATT, C), lambda t, e: (t, 0)),
        out_shape=jax.ShapeDtypeStruct((T, C), _f32),
    )(proj, kT, v_b, g_att, Wo_att.astype(_b16), xf_in)

    x2 = _layernorm(x_mid, norm2_g, norm2_b)
    _, gates2, idx2 = _task_gating(x2, Wg_mlp[task_bh], bg_mlp[task_bh], K_FFD, E_FFD)

    S = K_FFD * T
    flat_e = idx2.reshape(-1).astype(jnp.int32)
    flat_g = gates2.reshape(-1)
    oh = jax.nn.one_hot(flat_e, E_FFD, dtype=jnp.int32)
    ranks = jnp.cumsum(oh, axis=0) - oh
    counts = jnp.sum(oh, axis=0)
    pcounts = ((counts + BT_G - 1) // BT_G) * BT_G
    pstarts = jnp.concatenate([jnp.zeros((1,), jnp.int32), jnp.cumsum(pcounts)[:-1]])
    pad_slot = jnp.sum((ranks + pstarts[None, :]) * oh, axis=1)
    block_expert = jnp.clip(
        jnp.searchsorted(pstarts, jnp.arange(NB_G, dtype=jnp.int32) * BT_G,
                         side='right') - 1, 0, E_FFD - 1).astype(jnp.int32)
    pos2 = pad_slot.reshape(T, K_FFD)
    gidx = jnp.concatenate([pos2[:, 0], pos2[:, 1]])
    g_pad = jnp.pad(gates2, ((0, 0), (0, 8 - K_FFD)))

    xg_f = _scatter_dispatch(x2, pos2[:, 0], pos2[:, 1], S_PAD)

    y_sorted = pl.pallas_call(
        _gmm_body,
        grid_spec=pltpu.PrefetchScalarGridSpec(
            num_scalar_prefetch=1,
            grid=(NB_G,),
            in_specs=[
                pl.BlockSpec((BT_G, C), lambda b, be: (b, 0)),
                pl.BlockSpec((1, C, HIDDEN), lambda b, be: (be[b], 0, 0)),
                pl.BlockSpec((1, 1, HIDDEN), lambda b, be: (be[b], 0, 0)),
                pl.BlockSpec((1, HIDDEN, C), lambda b, be: (be[b], 0, 0)),
                pl.BlockSpec((1, 1, C), lambda b, be: (be[b], 0, 0)),
            ],
            out_specs=pl.BlockSpec((BT_G, C), lambda b, be: (b, 0)),
        ),
        out_shape=jax.ShapeDtypeStruct((S_PAD, C), _f32),
    )(block_expert, xg_f, W1.astype(_b16), b1.reshape(E_FFD, 1, HIDDEN),
      W2.astype(_b16), b2.reshape(E_FFD, 1, C))

    yg = _gather_rows(y_sorted, gidx)

    out = pl.pallas_call(
        _combine_body,
        grid=(T // 512,),
        in_specs=[
            pl.BlockSpec((512, C), lambda t: (t, 0)),
            pl.BlockSpec((512, 8), lambda t: (t, 0)),
            pl.BlockSpec((512, C), lambda t: (t, 0)),
            pl.BlockSpec((512, C), lambda t: (t + T // 512, 0)),
        ],
        out_specs=pl.BlockSpec((512, C), lambda t: (t, 0)),
        out_shape=jax.ShapeDtypeStruct((T, C), _f32),
    )(x_mid, g_pad, yg, yg)

    return (out.reshape(B, N, C), jnp.float32(0.0))

# --- scband reference (transcript-rebuilt; emitter-appended) ---
"""Pipeline reference for scband-mo-enhance-task-block-18528488915484 (READ-ONLY COPY).

The authoritative reference and input builder live on the scoring server;
editing this copy changes nothing except your own understanding.
"""

import jax, jax.numpy as jnp
import numpy as np

DIM = 768
H = 12
HD = 64
E_ATT = 16
E_FFD = 8
K_FFD = 2
HIDDEN = 1536  # int(dim*mlp_ratio)//ffd_heads = 3072//2
TASKS = 9


def layernorm(x, g, b):
    m = jnp.mean(x, axis=-1, keepdims=True)
    v = jnp.var(x, axis=-1, keepdims=True)
    return (x - m) / jnp.sqrt(v + 1e-5) * g + b


def task_gating(xf, Wg, bg, k, n_experts):
    # TaskMoE f_gate[task]: Linear(dim, 2*num_experts) with noisy_gating=True.
    # Eval mode: noise std half is discarded -> clean logits are first half.
    logits2 = xf @ Wg + bg
    logits = logits2[:, :n_experts]
    probs = jax.nn.softmax(logits, axis=-1)
    top_vals, top_idx = jax.lax.top_k(probs, k)
    gates = top_vals / (jnp.sum(top_vals, axis=-1, keepdims=True) + 1e-6)
    return gates, top_idx


def reference(x, task_bh, norm1_g, norm1_b, Wg_att, bg_att, We_att, Wo_att, kv_W, kv_b, norm2_g, norm2_b, Wg_mlp, bg_mlp, W1, b1, W2, b2):
    B, N, C = x.shape
    # ---- MoETaskAttention ----
    xn = layernorm(x, norm1_g, norm1_b)
    xf = xn.reshape(-1, C)
    gates, idx = task_gating(xf, Wg_att[task_bh], bg_att[task_bh], H, E_ATT)
    # q_proj.map: each of the top-H selected experts produces one head (dim -> head_dim)
    q_all = jnp.einsum('tc,ech->teh', xf, We_att)
    q = jnp.take_along_axis(q_all, idx[:, :, None], axis=1)  # [T, H, HD]
    q = q.reshape(B, N, H, HD)
    kv = xf @ kv_W + kv_b
    k_, v_ = jnp.split(kv, 2, axis=-1)
    k_ = k_.reshape(B, N, HD)
    v_ = v_.reshape(B, N, HD)
    scale = HD ** (-0.5)
    attn = jnp.einsum('bihd,bjd->bhij', q, k_) * scale
    attn = jax.nn.softmax(attn, axis=-1)
    o = jnp.einsum('bhij,bjd->bihd', attn, v_).reshape(-1, H, HD)
    # q_proj.reduce: per selected expert output projection (head_dim -> dim), gate-weighted scatter-add
    gmask = jax.nn.one_hot(idx, E_ATT, dtype=x.dtype) * gates[:, :, None]  # [T, H, E]
    z = jnp.einsum('the,thd->ted', gmask, o)
    y = jnp.einsum('ted,edc->tc', z, Wo_att).reshape(B, N, C)
    x = x + y
    # ---- TaskMoE FFN ----
    x2 = layernorm(x, norm2_g, norm2_b)
    x2f = x2.reshape(-1, C)
    gates2, idx2 = task_gating(x2f, Wg_mlp[task_bh], bg_mlp[task_bh], K_FFD, E_FFD)
    h = jax.nn.gelu(jnp.einsum('tc,ech->teh', x2f, W1) + b1[None], approximate=False)
    out_all = jnp.einsum('teh,ehc->tec', h, W2) + b2[None]
    gmask2 = jax.nn.one_hot(idx2, E_FFD, dtype=x.dtype) * gates2[:, :, None]  # [T, K, E]
    w = jnp.sum(gmask2, axis=1)  # [T, E]
    y2 = jnp.einsum('te,tec->tc', w, out_all).reshape(B, N, C)
    x = x + y2
    # acc_aux_loss=True in both TaskMoE modules -> gating returns 0 aux loss
    return (x, jnp.float32(0.0))


def setup_inputs(seed: int = 0) -> dict:
    key = jax.random.key(seed)
    ks = jax.random.split(key, 10)
    B, N = 1, 2048
    s = 0.02
    return {
        'x': jax.random.normal(ks[0], (B, N, DIM), dtype=jnp.float32),
        'task_bh': 3,
        'norm1_g': jnp.ones((DIM,), dtype=jnp.float32),
        'norm1_b': jnp.zeros((DIM,), dtype=jnp.float32),
        'Wg_att': jax.random.normal(ks[1], (TASKS, DIM, 2 * E_ATT), dtype=jnp.float32) * s,
        'bg_att': jnp.zeros((TASKS, 2 * E_ATT), dtype=jnp.float32),
        'We_att': jax.random.normal(ks[2], (E_ATT, DIM, HD), dtype=jnp.float32) * s,
        'Wo_att': jax.random.normal(ks[3], (E_ATT, HD, DIM), dtype=jnp.float32) * s,
        'kv_W': jax.random.normal(ks[4], (DIM, 2 * HD), dtype=jnp.float32) * s,
        'kv_b': jnp.zeros((2 * HD,), dtype=jnp.float32),
        'norm2_g': jnp.ones((DIM,), dtype=jnp.float32),
        'norm2_b': jnp.zeros((DIM,), dtype=jnp.float32),
        'Wg_mlp': jax.random.normal(ks[5], (TASKS, DIM, 2 * E_FFD), dtype=jnp.float32) * s,
        'bg_mlp': jnp.zeros((TASKS, 2 * E_FFD), dtype=jnp.float32),
        'W1': jax.random.normal(ks[6], (E_FFD, DIM, HIDDEN), dtype=jnp.float32) * s,
        'b1': jnp.zeros((E_FFD, HIDDEN), dtype=jnp.float32),
        'W2': jax.random.normal(ks[7], (E_FFD, HIDDEN, DIM), dtype=jnp.float32) * s,
        'b2': jnp.zeros((E_FFD, DIM), dtype=jnp.float32),
    }

if __name__ == "__main__":
    import jax
    _d = setup_inputs()
    print(jax.jit(kernel)(*tuple(_d.values())))

</pallas_src>

<mosaic_0001>
#map = affine_map<(d0, d1) -> (0, 0)>
#map1 = affine_map<(d0, d1) -> (0)>
module attributes {stable_mosaic.version = 14 : i64} {
  func.func @k(%arg0: i32, %arg1: i32, %arg2: memref<6144x768xf32, #tpu.memory_space<hbm>>, %arg3: memref<4096xi32, #tpu.memory_space<hbm>>, %arg4: memref<4096x768xf32, #tpu.memory_space<hbm>>, %arg5: memref<128xi32, #tpu.memory_space<vmem>>, %arg6: memref<128x768xf32, #tpu.memory_space<vmem>>, %arg7: memref<!tpu.dma_semaphore, #tpu.memory_space<semaphore_mem>>) attributes {dimension_semantics = [#tpu.dimension_semantics<core_parallel>, #tpu.dimension_semantics<subcore_parallel>], iteration_bounds = array<i64: 2, 16>, scalar_prefetch = 0 : i64, scratch_operands = 3 : i64, tpu.core_type = #tpu.core_type<sc_vector_subcore>, window_params = [{transform_indices = #map}, {transform_indices = #map1}, {transform_indices = #map}]} {
    %mul3A = arith.constant 2 : i32
    %mul3A_0 = arith.muli %arg1, %mul3A : i32
    %add3A = arith.addi %mul3A_0, %arg0 : i32
    %mul3A_1 = arith.constant 128 : i32
    %mul3A_2 = arith.muli %add3A, %mul3A_1 : i32
    %add3A_3 = arith.constant 0 : i32
    %add3A_4 = arith.addi %mul3A_2, %add3A_3 : i32
    "tpu.region"() ({
      %run_scoped3A = tpu.sem_alloc : memref<!tpu.dma_semaphore, #tpu.memory_space<semaphore_mem>>
      %dma_start3A_9 = tpu.memref_slice %arg3[%add3A_4] : memref<4096xi32, #tpu.memory_space<hbm>> -> memref<128xi32, #tpu.memory_space<hbm>>
      %dma_start3A_10 = tpu.memref_slice %arg3[%add3A_4] : memref<4096xi32, #tpu.memory_space<hbm>> -> memref<128xi32, #tpu.memory_space<hbm>>
      tpu.enqueue_dma source(%dma_start3A_10 : memref<128xi32, #tpu.memory_space<hbm>>) target(%arg5 : memref<128xi32, #tpu.memory_space<vmem>>) target_semaphore(%run_scoped3A : memref<!tpu.dma_semaphore, #tpu.memory_space<semaphore_mem>>)
      %dma_wait3A_11 = tpu.memref_slice %arg3[%add3A_4] : memref<4096xi32, #tpu.memory_space<hbm>> -> memref<128xi32, #tpu.memory_space<hbm>>
      %dma_wait3A_12 = tpu.memref_slice %arg3[%add3A_4] : memref<4096xi32, #tpu.memory_space<hbm>> -> memref<128xi32, #tpu.memory_space<hbm>>
      tpu.wait_dma2 semaphore(%run_scoped3A : memref<!tpu.dma_semaphore, #tpu.memory_space<semaphore_mem>>) src(%dma_wait3A_12 : memref<128xi32, #tpu.memory_space<hbm>>) dst(%arg5 : memref<128xi32, #tpu.memory_space<vmem>>)
      tpu.yield
    }) : () -> ()
    %dma_start3A = arith.constant 0 : i32
    %dma_start3A_5 = arith.constant 0 : i32
    %dma_start3A_6 = tpu.memref_slice %arg2[%dma_start3A, %dma_start3A_5] : memref<6144x768xf32, #tpu.memory_space<hbm>> -> memref<6144x768xf32, #tpu.memory_space<hbm>>
    tpu.enqueue_indirect_dma source(%dma_start3A_6 : memref<6144x768xf32, #tpu.memory_space<hbm>>) target(%arg6 : memref<128x768xf32, #tpu.memory_space<vmem>>) offsets(%arg5 : memref<128xi32, #tpu.memory_space<vmem>>) semaphore(%arg7 : memref<!tpu.dma_semaphore, #tpu.memory_space<semaphore_mem>>)
    %dma_wait3A = arith.constant 0 : i32
    %dma_wait3A_7 = arith.constant 0 : i32
    %dma_wait3A_8 = tpu.memref_slice %arg2[%dma_wait3A, %dma_wait3A_7] : memref<6144x768xf32, #tpu.memory_space<hbm>> -> memref<6144x768xf32, #tpu.memory_space<hbm>>
    tpu.wait_indirect_dma semaphore(%arg7 : memref<!tpu.dma_semaphore, #tpu.memory_space<semaphore_mem>>) src(%dma_wait3A_8 : memref<6144x768xf32, #tpu.memory_space<hbm>>) dst(%arg6 : memref<128x768xf32, #tpu.memory_space<vmem>>)
    "tpu.region"() ({
      %run_scoped3A = tpu.sem_alloc : memref<!tpu.dma_semaphore, #tpu.memory_space<semaphore_mem>>
      %dma_start3A_9 = arith.constant 0 : i32
      %dma_start3A_10 = tpu.memref_slice %arg4[%add3A_4, %dma_start3A_9] : memref<4096x768xf32, #tpu.memory_space<hbm>> -> memref<128x768xf32, #tpu.memory_space<hbm>>
      %dma_start3A_11 = arith.constant 0 : i32
      %dma_start3A_12 = tpu.memref_slice %arg4[%add3A_4, %dma_start3A_11] : memref<4096x768xf32, #tpu.memory_space<hbm>> -> memref<128x768xf32, #tpu.memory_space<hbm>>
      tpu.enqueue_dma source(%arg6 : memref<128x768xf32, #tpu.memory_space<vmem>>) target(%dma_start3A_12 : memref<128x768xf32, #tpu.memory_space<hbm>>) target_semaphore(%run_scoped3A : memref<!tpu.dma_semaphore, #tpu.memory_space<semaphore_mem>>)
      %dma_wait3A_13 = arith.constant 0 : i32
      %dma_wait3A_14 = tpu.memref_slice %arg4[%add3A_4, %dma_wait3A_13] : memref<4096x768xf32, #tpu.memory_space<hbm>> -> memref<128x768xf32, #tpu.memory_space<hbm>>
      %dma_wait3A_15 = arith.constant 0 : i32
      %dma_wait3A_16 = tpu.memref_slice %arg4[%add3A_4, %dma_wait3A_15] : memref<4096x768xf32, #tpu.memory_space<hbm>> -> memref<128x768xf32, #tpu.memory_space<hbm>>
      tpu.wait_dma2 semaphore(%run_scoped3A : memref<!tpu.dma_semaphore, #tpu.memory_space<semaphore_mem>>) src(%arg6 : memref<128x768xf32, #tpu.memory_space<vmem>>) dst(%dma_wait3A_16 : memref<128x768xf32, #tpu.memory_space<hbm>>)
      tpu.yield
    }) : () -> ()
    return
  }
}

#map = affine_map<(d0, d1) -> (0, 0)>
#map1 = affine_map<(d0, d1) -> (0)>
module attributes {stable_mosaic.version = 14 : i64} {
  func.func @k(%arg0: i32, %arg1: i32, %arg2: memref<2048x768xf32, #tpu.memory_space<hbm>>, %arg3: memref<2048xi32, #tpu.memory_space<hbm>>, %arg4: memref<2048xi32, #tpu.memory_space<hbm>>, %arg5: memref<6144x768xf32, #tpu.memory_space<hbm>>, %arg6: memref<64xi32, #tpu.memory_space<vmem>>, %arg7: memref<64x768xf32, #tpu.memory_space<vmem>>, %arg8: memref<!tpu.dma_semaphore, #tpu.memory_space<semaphore_mem>>) attributes {dimension_semantics = [#tpu.dimension_semantics<core_parallel>, #tpu.dimension_semantics<subcore_parallel>], iteration_bounds = array<i64: 2, 16>, scalar_prefetch = 0 : i64, scratch_operands = 3 : i64, tpu.core_type = #tpu.core_type<sc_vector_subcore>, window_params = [{transform_indices = #map}, {transform_indices = #map1}, {transform_indices = #map1}, {transform_indices = #map}]} {
    %mul3A = arith.constant 2 : i32
    %mul3A_0 = arith.muli %arg1, %mul3A : i32
    %add3A = arith.addi %mul3A_0, %arg0 : i32
    %mul3A_1 = arith.constant 64 : i32
    %mul3A_2 = arith.muli %add3A, %mul3A_1 : i32
    "tpu.region"() ({
      %run_scoped3A = tpu.sem_alloc : memref<!tpu.dma_semaphore, #tpu.memory_space<semaphore_mem>>
      %dma_start3A_13 = arith.constant 0 : i32
      %dma_start3A_14 = tpu.memref_slice %arg2[%mul3A_2, %dma_start3A_13] : memref<2048x768xf32, #tpu.memory_space<hbm>> -> memref<64x768xf32, #tpu.memory_space<hbm>>
      %dma_start3A_15 = arith.constant 0 : i32
      %dma_start3A_16 = tpu.memref_slice %arg2[%mul3A_2, %dma_start3A_15] : memref<2048x768xf32, #tpu.memory_space<hbm>> -> memref<64x768xf32, #tpu.memory_space<hbm>>
      tpu.enqueue_dma source(%dma_start3A_16 : memref<64x768xf32, #tpu.memory_space<hbm>>) target(%arg7 : memref<64x768xf32, #tpu.memory_space<vmem>>) target_semaphore(%run_scoped3A : memref<!tpu.dma_semaphore, #tpu.memory_space<semaphore_mem>>)
      %dma_wait3A_17 = arith.constant 0 : i32
      %dma_wait3A_18 = tpu.memref_slice %arg2[%mul3A_2, %dma_wait3A_17] : memref<2048x768xf32, #tpu.memory_space<hbm>> -> memref<64x768xf32, #tpu.memory_space<hbm>>
      %dma_wait3A_19 = arith.constant 0 : i32
      %dma_wait3A_20 = tpu.memref_slice %arg2[%mul3A_2, %dma_wait3A_19] : memref<2048x768xf32, #tpu.memory_space<hbm>> -> memref<64x768xf32, #tpu.memory_space<hbm>>
      tpu.wait_dma2 semaphore(%run_scoped3A : memref<!tpu.dma_semaphore, #tpu.memory_space<semaphore_mem>>) src(%dma_wait3A_20 : memref<64x768xf32, #tpu.memory_space<hbm>>) dst(%arg7 : memref<64x768xf32, #tpu.memory_space<vmem>>)
      tpu.yield
    }) : () -> ()
    "tpu.region"() ({
      %run_scoped3A = tpu.sem_alloc : memref<!tpu.dma_semaphore, #tpu.memory_space<semaphore_mem>>
      %dma_start3A_13 = tpu.memref_slice %arg3[%mul3A_2] : memref<2048xi32, #tpu.memory_space<hbm>> -> memref<64xi32, #tpu.memory_space<hbm>>
      %dma_start3A_14 = tpu.memref_slice %arg3[%mul3A_2] : memref<2048xi32, #tpu.memory_space<hbm>> -> memref<64xi32, #tpu.memory_space<hbm>>
      tpu.enqueue_dma source(%dma_start3A_14 : memref<64xi32, #tpu.memory_space<hbm>>) target(%arg6 : memref<64xi32, #tpu.memory_space<vmem>>) target_semaphore(%run_scoped3A : memref<!tpu.dma_semaphore, #tpu.memory_space<semaphore_mem>>)
      %dma_wait3A_15 = tpu.memref_slice %arg3[%mul3A_2] : memref<2048xi32, #tpu.memory_space<hbm>> -> memref<64xi32, #tpu.memory_space<hbm>>
      %dma_wait3A_16 = tpu.memref_slice %arg3[%mul3A_2] : memref<2048xi32, #tpu.memory_space<hbm>> -> memref<64xi32, #tpu.memory_space<hbm>>
      tpu.wait_dma2 semaphore(%run_scoped3A : memref<!tpu.dma_semaphore, #tpu.memory_space<semaphore_mem>>) src(%dma_wait3A_16 : memref<64xi32, #tpu.memory_space<hbm>>) dst(%arg6 : memref<64xi32, #tpu.memory_space<vmem>>)
      tpu.yield
    }) : () -> ()
    %dma_start3A = arith.constant 0 : i32
    %dma_start3A_3 = arith.constant 0 : i32
    %dma_start3A_4 = tpu.memref_slice %arg5[%dma_start3A, %dma_start3A_3] : memref<6144x768xf32, #tpu.memory_space<hbm>> -> memref<6144x768xf32, #tpu.memory_space<hbm>>
    tpu.enqueue_indirect_dma source(%arg7 : memref<64x768xf32, #tpu.memory_space<vmem>>) target(%dma_start3A_4 : memref<6144x768xf32, #tpu.memory_space<hbm>>) offsets(%arg6 : memref<64xi32, #tpu.memory_space<vmem>>) semaphore(%arg8 : memref<!tpu.dma_semaphore, #tpu.memory_space<semaphore_mem>>)
    %dma_wait3A = arith.constant 0 : i32
    %dma_wait3A_5 = arith.constant 0 : i32
    %dma_wait3A_6 = tpu.memref_slice %arg5[%dma_wait3A, %dma_wait3A_5] : memref<6144x768xf32, #tpu.memory_space<hbm>> -> memref<6144x768xf32, #tpu.memory_space<hbm>>
    tpu.wait_indirect_dma semaphore(%arg8 : memref<!tpu.dma_semaphore, #tpu.memory_space<semaphore_mem>>) src(%arg7 : memref<64x768xf32, #tpu.memory_space<vmem>>) dst(%dma_wait3A_6 : memref<6144x768xf32, #tpu.memory_space<hbm>>)
    "tpu.region"() ({
      %run_scoped3A = tpu.sem_alloc : memref<!tpu.dma_semaphore, #tpu.memory_space<semaphore_mem>>
      %dma_start3A_13 = tpu.memref_slice %arg4[%mul3A_2] : memref<2048xi32, #tpu.memory_space<hbm>> -> memref<64xi32, #tpu.memory_space<hbm>>
      %dma_start3A_14 = tpu.memref_slice %arg4[%mul3A_2] : memref<2048xi32, #tpu.memory_space<hbm>> -> memref<64xi32, #tpu.memory_space<hbm>>
      tpu.enqueue_dma source(%dma_start3A_14 : memref<64xi32, #tpu.memory_space<hbm>>) target(%arg6 : memref<64xi32, #tpu.memory_space<vmem>>) target_semaphore(%run_scoped3A : memref<!tpu.dma_semaphore, #tpu.memory_space<semaphore_mem>>)
      %dma_wait3A_15 = tpu.memref_slice %arg4[%mul3A_2] : memref<2048xi32, #tpu.memory_space<hbm>> -> memref<64xi32, #tpu.memory_space<hbm>>
      %dma_wait3A_16 = tpu.memref_slice %arg4[%mul3A_2] : memref<2048xi32, #tpu.memory_space<hbm>> -> memref<64xi32, #tpu.memory_space<hbm>>
      tpu.wait_dma2 semaphore(%run_scoped3A : memref<!tpu.dma_semaphore, #tpu.memory_space<semaphore_mem>>) src(%dma_wait3A_16 : memref<64xi32, #tpu.memory_space<hbm>>) dst(%arg6 : memref<64xi32, #tpu.memory_space<vmem>>)
      tpu.yield
    }) : () -> ()
    %dma_start3A_7 = arith.constant 0 : i32
    %dma_start3A_8 = arith.constant 0 : i32
    %dma_start3A_9 = tpu.memref_slice %arg5[%dma_start3A_7, %dma_start3A_8] : memref<6144x768xf32, #tpu.memory_space<hbm>> -> memref<6144x768xf32, #tpu.memory_space<hbm>>
    tpu.enqueue_indirect_dma source(%arg7 : memref<64x768xf32, #tpu.memory_space<vmem>>) target(%dma_start3A_9 : memref<6144x768xf32, #tpu.memory_space<hbm>>) offsets(%arg6 : memref<64xi32, #tpu.memory_space<vmem>>) semaphore(%arg8 : memref<!tpu.dma_semaphore, #tpu.memory_space<semaphore_mem>>)
    %dma_wait3A_10 = arith.constant 0 : i32
    %dma_wait3A_11 = arith.constant 0 : i32
    %dma_wait3A_12 = tpu.memref_slice %arg5[%dma_wait3A_10, %dma_wait3A_11] : memref<6144x768xf32, #tpu.memory_space<hbm>> -> memref<6144x768xf32, #tpu.memory_space<hbm>>
    tpu.wait_indirect_dma semaphore(%arg8 : memref<!tpu.dma_semaphore, #tpu.memory_space<semaphore_mem>>) src(%arg7 : memref<64x768xf32, #tpu.memory_space<vmem>>) dst(%dma_wait3A_12 : memref<6144x768xf32, #tpu.memory_space<hbm>>)
    return
  }
}

module attributes {stable_mosaic.version = 14 : i64} {
  func.func @_proj_body(%arg0: memref<2048x768xbf16, #tpu.memory_space<vmem>>, %arg1: memref<768x1152xbf16, #tpu.memory_space<vmem>>, %arg2: memref<1x1152xf32, #tpu.memory_space<vmem>>, %arg3: memref<2048x1152xbf16, #tpu.memory_space<vmem>>) attributes {dimension_semantics = [], scalar_prefetch = 0 : i64, scratch_operands = 0 : i64, tpu.core_type = #tpu.core_type<tc>} {
    %get3A = arith.constant 0 : index
    %get3A_0 = arith.constant 0 : index
    %get3A_1 = vector.load %arg0[%get3A, %get3A_0] : memref<2048x768xbf16, #tpu.memory_space<vmem>>, vector<2048x768xbf16>
    %get3A_2 = arith.constant 0 : index
    %get3A_3 = arith.constant 0 : index
    %get3A_4 = vector.load %arg1[%get3A_2, %get3A_3] : memref<768x1152xbf16, #tpu.memory_space<vmem>>, vector<768x1152xbf16>
    %dot_general3A = arith.constant dense<0.000000e+00> : vector<2048x1152xf32>
    %dot_general3A_5 = tpu.matmul %get3A_1, %get3A_4, %dot_general3A {dimension_numbers = #tpu.dot_dimension_numbers<[1], [0], [0], [1], [0, 0, 1, 1], [], []>, transpose_lhs_hint = false} : vector<2048x768xbf16>, vector<768x1152xbf16>, vector<2048x1152xf32> -> vector<2048x1152xf32>
    %get3A_6 = arith.constant 0 : index
    %get3A_7 = arith.constant 0 : index
    %get3A_8 = vector.load %arg2[%get3A_6, %get3A_7] : memref<1x1152xf32, #tpu.memory_space<vmem>>, vector<1x1152xf32>
    %add3A = vector.broadcast %get3A_8 : vector<1x1152xf32> to vector<2048x1152xf32>
    %add3A_9 = arith.addf %dot_general3A_5, %add3A : vector<2048x1152xf32>
    %convert_element_type3A = arith.truncf %add3A_9 : vector<2048x1152xf32> to vector<2048x1152xbf16>
    %swap3A = arith.constant 0 : index
    %swap3A_10 = arith.constant 0 : index
    %swap3A_11 = vector.load %arg3[%swap3A, %swap3A_10] : memref<2048x1152xbf16, #tpu.memory_space<vmem>>, vector<2048x1152xbf16>
    tpu.vector_store %arg3[%swap3A, %swap3A_10], %convert_element_type3A {strides = array<i32>} : memref<2048x1152xbf16, #tpu.memory_space<vmem>>, vector<2048x1152xbf16>,
    return
  }
}

module attributes {stable_mosaic.version = 14 : i64} {
  func.func @_attn_body(%arg0: i32, %arg1: i32, %arg2: memref<1024x128xbf16, #tpu.memory_space<vmem>>, %arg3: memref<64x2048xbf16, #tpu.memory_space<vmem>>, %arg4: memref<2048x64xbf16, #tpu.memory_space<vmem>>, %arg5: memref<1024x16xf32, #tpu.memory_space<vmem>>, %arg6: memref<2x64x768xbf16, #tpu.memory_space<vmem>>, %arg7: memref<1024x768xf32, #tpu.memory_space<vmem>>, %arg8: memref<1024x768xf32, #tpu.memory_space<vmem>>) attributes {dimension_semantics = [#tpu.dimension_semantics<arbitrary>, #tpu.dimension_semantics<arbitrary>], iteration_bounds = array<i64: 2, 8>, scalar_prefetch = 0 : i64, scratch_operands = 0 : i64, tpu.core_type = #tpu.core_type<tc>, window_params = [{transform_indices = @transform_0, window_bounds = array<i64: 1024, 128>}, {pipeline_mode = #tpu.pipeline_mode<synchronous>, transform_indices = @transform_1, window_bounds = array<i64: 64, 2048>}, {pipeline_mode = #tpu.pipeline_mode<synchronous>, transform_indices = @transform_2, window_bounds = array<i64: 2048, 64>}, {transform_indices = @transform_3, window_bounds = array<i64: 1024, 16>}, {transform_indices = @transform_4, window_bounds = array<i64: 2, 64, 768>}, {transform_indices = @transform_5, window_bounds = array<i64: 1024, 768>}, {transform_indices = @transform_6, window_bounds = array<i64: 1024, 768>}]} {
    %iota3A = tpu.iota {dimensions = array<i32: 1>} : vector<1024x16xi32>
    %mul3A = arith.constant 2 : i32
    %mul3A_0 = arith.muli %arg1, %mul3A : i32
    %add3A = arith.constant 0 : i32
    %add3A_1 = arith.addi %mul3A_0, %add3A : i32
    %get3A = arith.constant 0 : index
    %get3A_2 = arith.constant 0 : index
    %get3A_3 = vector.load %arg2[%get3A, %get3A_2] : memref<1024x128xbf16, #tpu.memory_space<vmem>>, vector<1024x64xbf16>
    %get3A_4 = arith.constant 0 : index
    %get3A_5 = arith.constant 0 : index
    %get3A_6 = vector.load %arg3[%get3A_4, %get3A_5] : memref<64x2048xbf16, #tpu.memory_space<vmem>>, vector<64x2048xbf16>
    %dot_general3A = arith.constant dense<0.000000e+00> : vector<1024x2048xf32>
    %dot_general3A_7 = tpu.matmul %get3A_3, %get3A_6, %dot_general3A {dimension_numbers = #tpu.dot_dimension_numbers<[1], [0], [0], [1], [0, 0, 1, 1], [], []>, transpose_lhs_hint = false} : vector<1024x64xbf16>, vector<64x2048xbf16>, vector<1024x2048xf32> -> vector<1024x2048xf32>
    %mul3A_8 = arith.constant 1.250000e-01 : f32
    %mul3A_9 = vector.broadcast %mul3A_8 : f32 to vector<1024x2048xf32>
    %mul3A_10 = arith.mulf %dot_general3A_7, %mul3A_9 : vector<1024x2048xf32>
    %exp3A = math.exp %mul3A_10 : vector<1024x2048xf32>
    %reduce_sum3A = arith.constant dense<0.000000e+00> : vector<1024xf32>
    %reduce_sum3A_11 = vector.multi_reduction <add>, %exp3A, %reduce_sum3A [1] : vector<1024x2048xf32> to vector<1024xf32>
    %broadcast_in_dim3A = vector.shape_cast %reduce_sum3A_11 : vector<1024xf32> to vector<1024x1xf32>
    %convert_element_type3A = arith.truncf %exp3A : vector<1024x2048xf32> to vector<1024x2048xbf16>
    %get3A_12 = arith.constant 0 : index
    %get3A_13 = arith.constant 0 : index
    %get3A_14 = vector.load %arg4[%get3A_12, %get3A_13] : memref<2048x64xbf16, #tpu.memory_space<vmem>>, vector<2048x64xbf16>
    %dot_general3A_15 = arith.constant dense<0.000000e+00> : vector<1024x64xf32>
    %dot_general3A_16 = tpu.matmul %convert_element_type3A, %get3A_14, %dot_general3A_15 {dimension_numbers = #tpu.dot_dimension_numbers<[1], [0], [0], [1], [0, 0, 1, 1], [], []>, transpose_lhs_hint = false} : vector<1024x2048xbf16>, vector<2048x64xbf16>, vector<1024x64xf32> -> vector<1024x64xf32>
    %div3A = arith.constant 1.000000e+00 : f32
    %div3A_17 = vector.broadcast %div3A : f32 to vector<1024x1xf32>
    %div3A_18 = arith.divf %div3A_17, %broadcast_in_dim3A : vector<1024x1xf32>
    %mul3A_19 = vector.broadcast %div3A_18 : vector<1024x1xf32> to vector<1024x64xf32>
    %mul3A_20 = arith.mulf %dot_general3A_16, %mul3A_19 : vector<1024x64xf32>
    %eq3A = vector.broadcast %add3A_1 : i32 to vector<1024x16xi32>
    %eq3A_21 = arith.cmpi eq, %iota3A, %eq3A : vector<1024x16xi32>
    %get3A_22 = arith.constant 0 : index
    %get3A_23 = arith.constant 0 : index
    %get3A_24 = vector.load %arg5[%get3A_22, %get3A_23] : memref<1024x16xf32, #tpu.memory_space<vmem>>, vector<1024x16xf32>
    %jit3A = arith.constant 0.000000e+00 : f32
    %broadcast_in_dim3A_25 = vector.broadcast %jit3A : f32 to vector<1024x16xf32>
    %select_n3A = arith.select %eq3A_21, %get3A_24, %broadcast_in_dim3A_25 : vector<1024x16xi1>, vector<1024x16xf32>
    %reduce_sum3A_26 = arith.constant dense<0.000000e+00> : vector<1024xf32>
    %reduce_sum3A_27 = vector.multi_reduction <add>, %select_n3A, %reduce_sum3A_26 [1] : vector<1024x16xf32> to vector<1024xf32>
    %broadcast_in_dim3A_28 = vector.shape_cast %reduce_sum3A_27 : vector<1024xf32> to vector<1024x1xf32>
    %convert_element_type3A_29 = arith.truncf %broadcast_in_dim3A_28 : vector<1024x1xf32> to vector<1024x1xbf16>
    %convert_element_type3A_30 = arith.extf %convert_element_type3A_29 : vector<1024x1xbf16> to vector<1024x1xf32>
    %convert_element_type3A_31 = arith.truncf %mul3A_20 : vector<1024x64xf32> to vector<1024x64xbf16>
    %convert_element_type3A_32 = arith.extf %convert_element_type3A_31 : vector<1024x64xbf16> to vector<1024x64xf32>
    %mul3A_33 = vector.broadcast %convert_element_type3A_30 : vector<1024x1xf32> to vector<1024x64xf32>
    %mul3A_34 = arith.mulf %mul3A_33, %convert_element_type3A_32 : vector<1024x64xf32>
    %convert_element_type3A_35 = arith.truncf %mul3A_34 : vector<1024x64xf32> to vector<1024x64xbf16>
    %get3A_36 = arith.constant 0 : index
    %get3A_37 = arith.constant 0 : index
    %get3A_38 = arith.constant 0 : index
    %get3A_39 = vector.load %arg6[%get3A_36, %get3A_37, %get3A_38] : memref<2x64x768xbf16, #tpu.memory_space<vmem>>, vector<1x64x768xbf16>
    %get3A_40 = vector.shape_cast %get3A_39 : vector<1x64x768xbf16> to vector<64x768xbf16>
    %dot_general3A_41 = arith.constant dense<0.000000e+00> : vector<1024x768xf32>
    %dot_general3A_42 = tpu.matmul %convert_element_type3A_35, %get3A_40, %dot_general3A_41 {dimension_numbers = #tpu.dot_dimension_numbers<[1], [0], [0], [1], [0, 0, 1, 1], [], []>, transpose_lhs_hint = false} : vector<1024x64xbf16>, vector<64x768xbf16>, vector<1024x768xf32> -> vector<1024x768xf32>
    %mul3A_43 = arith.constant 2 : i32
    %mul3A_44 = arith.muli %arg1, %mul3A_43 : i32
    %add3A_45 = arith.constant 1 : i32
    %add3A_46 = arith.addi %mul3A_44, %add3A_45 : i32
    %get3A_47 = arith.constant 0 : index
    %get3A_48 = arith.constant 64 : index
    %get3A_49 = vector.load %arg2[%get3A_47, %get3A_48] : memref<1024x128xbf16, #tpu.memory_space<vmem>>, vector<1024x64xbf16>
    %get3A_50 = arith.constant 0 : index
    %get3A_51 = arith.constant 0 : index
    %get3A_52 = vector.load %arg3[%get3A_50, %get3A_51] : memref<64x2048xbf16, #tpu.memory_space<vmem>>, vector<64x2048xbf16>
    %dot_general3A_53 = arith.constant dense<0.000000e+00> : vector<1024x2048xf32>
    %dot_general3A_54 = tpu.matmul %get3A_49, %get3A_52, %dot_general3A_53 {dimension_numbers = #tpu.dot_dimension_numbers<[1], [0], [0], [1], [0, 0, 1, 1], [], []>, transpose_lhs_hint = false} : vector<1024x64xbf16>, vector<64x2048xbf16>, vector<1024x2048xf32> -> vector<1024x2048xf32>
    %mul3A_55 = arith.constant 1.250000e-01 : f32
    %mul3A_56 = vector.broadcast %mul3A_55 : f32 to vector<1024x2048xf32>
    %mul3A_57 = arith.mulf %dot_general3A_54, %mul3A_56 : vector<1024x2048xf32>
    %exp3A_58 = math.exp %mul3A_57 : vector<1024x2048xf32>
    %reduce_sum3A_59 = arith.constant dense<0.000000e+00> : vector<1024xf32>
    %reduce_sum3A_60 = vector.multi_reduction <add>, %exp3A_58, %reduce_sum3A_59 [1] : vector<1024x2048xf32> to vector<1024xf32>
    %broadcast_in_dim3A_61 = vector.shape_cast %reduce_sum3A_60 : vector<1024xf32> to vector<1024x1xf32>
    %convert_element_type3A_62 = arith.truncf %exp3A_58 : vector<1024x2048xf32> to vector<1024x2048xbf16>
    %get3A_63 = arith.constant 0 : index
    %get3A_64 = arith.constant 0 : index
    %get3A_65 = vector.load %arg4[%get3A_63, %get3A_64] : memref<2048x64xbf16, #tpu.memory_space<vmem>>, vector<2048x64xbf16>
    %dot_general3A_66 = arith.constant dense<0.000000e+00> : vector<1024x64xf32>
    %dot_general3A_67 = tpu.matmul %convert_element_type3A_62, %get3A_65, %dot_general3A_66 {dimension_numbers = #tpu.dot_dimension_numbers<[1], [0], [0], [1], [0, 0, 1, 1], [], []>, transpose_lhs_hint = false} : vector<1024x2048xbf16>, vector<2048x64xbf16>, vector<1024x64xf32> -> vector<1024x64xf32>
    %div3A_68 = arith.constant 1.000000e+00 : f32
    %div3A_69 = vector.broadcast %div3A_68 : f32 to vector<1024x1xf32>
    %div3A_70 = arith.divf %div3A_69, %broadcast_in_dim3A_61 : vector<1024x1xf32>
    %mul3A_71 = vector.broadcast %div3A_70 : vector<1024x1xf32> to vector<1024x64xf32>
    %mul3A_72 = arith.mulf %dot_general3A_67, %mul3A_71 : vector<1024x64xf32>
    %eq3A_73 = vector.broadcast %add3A_46 : i32 to vector<1024x16xi32>
    %eq3A_74 = arith.cmpi eq, %iota3A, %eq3A_73 : vector<1024x16xi32>
    %get3A_75 = arith.constant 0 : index
    %get3A_76 = arith.constant 0 : index
    %get3A_77 = vector.load %arg5[%get3A_75, %get3A_76] : memref<1024x16xf32, #tpu.memory_space<vmem>>, vector<1024x16xf32>
    %jit3A_78 = arith.constant 0.000000e+00 : f32
    %broadcast_in_dim3A_79 = vector.broadcast %jit3A_78 : f32 to vector<1024x16xf32>
    %select_n3A_80 = arith.select %eq3A_74, %get3A_77, %broadcast_in_dim3A_79 : vector<1024x16xi1>, vector<1024x16xf32>
    %reduce_sum3A_81 = arith.constant dense<0.000000e+00> : vector<1024xf32>
    %reduce_sum3A_82 = vector.multi_reduction <add>, %select_n3A_80, %reduce_sum3A_81 [1] : vector<1024x16xf32> to vector<1024xf32>
    %broadcast_in_dim3A_83 = vector.shape_cast %reduce_sum3A_82 : vector<1024xf32> to vector<1024x1xf32>
    %convert_element_type3A_84 = arith.truncf %broadcast_in_dim3A_83 : vector<1024x1xf32> to vector<1024x1xbf16>
    %convert_element_type3A_85 = arith.extf %convert_element_type3A_84 : vector<1024x1xbf16> to vector<1024x1xf32>
    %convert_element_type3A_86 = arith.truncf %mul3A_72 : vector<1024x64xf32> to vector<1024x64xbf16>
    %convert_element_type3A_87 = arith.extf %convert_element_type3A_86 : vector<1024x64xbf16> to vector<1024x64xf32>
    %mul3A_88 = vector.broadcast %convert_element_type3A_85 : vector<1024x1xf32> to vector<1024x64xf32>
    %mul3A_89 = arith.mulf %mul3A_88, %convert_element_type3A_87 : vector<1024x64xf32>
    %convert_element_type3A_90 = arith.truncf %mul3A_89 : vector<1024x64xf32> to vector<1024x64xbf16>
    %get3A_91 = arith.constant 1 : index
    %get3A_92 = arith.constant 0 : index
    %get3A_93 = arith.constant 0 : index
    %get3A_94 = vector.load %arg6[%get3A_91, %get3A_92, %get3A_93] : memref<2x64x768xbf16, #tpu.memory_space<vmem>>, vector<1x64x768xbf16>
    %get3A_95 = vector.shape_cast %get3A_94 : vector<1x64x768xbf16> to vector<64x768xbf16>
    %dot_general3A_96 = arith.constant dense<0.000000e+00> : vector<1024x768xf32>
    %dot_general3A_97 = tpu.matmul %convert_element_type3A_90, %get3A_95, %dot_general3A_96 {dimension_numbers = #tpu.dot_dimension_numbers<[1], [0], [0], [1], [0, 0, 1, 1], [], []>, transpose_lhs_hint = false} : vector<1024x64xbf16>, vector<64x768xbf16>, vector<1024x768xf32> -> vector<1024x768xf32>
    %add3A_98 = arith.addf %dot_general3A_42, %dot_general3A_97 : vector<1024x768xf32>
    %eq3A_99 = arith.constant 0 : i32
    %eq3A_100 = arith.cmpi eq, %arg1, %eq3A_99 : i32
    %convert_element_type3A_101 = arith.extui %eq3A_100 : i1 to i32
    %cond3A = arith.constant 0 : i32
    %cond3A_102 = arith.cmpi ne, %convert_element_type3A_101, %cond3A : i32
    scf.if %cond3A_102 {
      %get3A_107 = arith.constant 0 : index
      %get3A_108 = arith.constant 0 : index
      %get3A_109 = vector.load %arg7[%get3A_107, %get3A_108] : memref<1024x768xf32, #tpu.memory_space<vmem>>, vector<1024x768xf32>
      %add3A_110 = arith.addf %get3A_109, %add3A_98 : vector<1024x768xf32>
      %swap3A = arith.constant 0 : index
      %swap3A_111 = arith.constant 0 : index
      %swap3A_112 = vector.load %arg8[%swap3A, %swap3A_111] : memref<1024x768xf32, #tpu.memory_space<vmem>>, vector<1024x768xf32>
      tpu.vector_store %arg8[%swap3A, %swap3A_111], %add3A_110 {strides = array<i32>} : memref<1024x768xf32, #tpu.memory_space<vmem>>, vector<1024x768xf32>,
    } else {
    }
    %gt3A = arith.constant 0 : i32
    %gt3A_103 = arith.cmpi sgt, %arg1, %gt3A : i32
    %convert_element_type3A_104 = arith.extui %gt3A_103 : i1 to i32
    %cond3A_105 = arith.constant 0 : i32
    %cond3A_106 = arith.cmpi ne, %convert_element_type3A_104, %cond3A_105 : i32
    scf.if %cond3A_106 {
      %get3A_107 = arith.constant 0 : index
      %get3A_108 = arith.constant 0 : index
      %get3A_109 = vector.load %arg8[%get3A_107, %get3A_108] : memref<1024x768xf32, #tpu.memory_space<vmem>>, vector<1024x768xf32>
      %add3A_110 = arith.addf %get3A_109, %add3A_98 : vector<1024x768xf32>
      %swap3A = arith.constant 0 : index
      %swap3A_111 = arith.constant 0 : index
      %swap3A_112 = vector.load %arg8[%swap3A, %swap3A_111] : memref<1024x768xf32, #tpu.memory_space<vmem>>, vector<1024x768xf32>
      tpu.vector_store %arg8[%swap3A, %swap3A_111], %add3A_110 {strides = array<i32>} : memref<1024x768xf32, #tpu.memory_space<vmem>>, vector<1024x768xf32>,
    } else {
    }
    return
  }
  func.func @transform_0(%arg0: i32, %arg1: i32) -> (i32, i32) {
    %c0_i32 = arith.constant 0 : i32
    return %arg0, %arg1 : i32, i32
  }
  func.func @transform_1(%arg0: i32, %arg1: i32) -> (i32, i32) {
    %c0_i32 = arith.constant 0 : i32
    %c0_i32_0 = arith.constant 0 : i32
    %c0_i32_1 = arith.constant 0 : i32
    return %c0_i32, %c0_i32_0 : i32, i32
  }
  func.func @transform_2(%arg0: i32, %arg1: i32) -> (i32, i32) {
    %c0_i32 = arith.constant 0 : i32
    %c0_i32_0 = arith.constant 0 : i32
    %c0_i32_1 = arith.constant 0 : i32
    return %c0_i32, %c0_i32_0 : i32, i32
  }
  func.func @transform_3(%arg0: i32, %arg1: i32) -> (i32, i32) {
    %c0_i32 = arith.constant 0 : i32
    %c0_i32_0 = arith.constant 0 : i32
    return %arg0, %c0_i32 : i32, i32
  }
  func.func @transform_4(%arg0: i32, %arg1: i32) -> (i32, i32, i32) {
    %c0_i32 = arith.constant 0 : i32
    %c0_i32_0 = arith.constant 0 : i32
    %c0_i32_1 = arith.constant 0 : i32
    return %arg1, %c0_i32, %c0_i32_0 : i32, i32, i32
  }
  func.func @transform_5(%arg0: i32, %arg1: i32) -> (i32, i32) {
    %c0_i32 = arith.constant 0 : i32
    %c0_i32_0 = arith.constant 0 : i32
    return %arg0, %c0_i32 : i32, i32
  }
  func.func @transform_6(%arg0: i32, %arg1: i32) -> (i32, i32) {
    %c0_i32 = arith.constant 0 : i32
    %c0_i32_0 = arith.constant 0 : i32
    return %arg0, %c0_i32 : i32, i32
  }
}

module attributes {stable_mosaic.version = 14 : i64} {
  func.func @_gmm_body(%arg0: i32, %arg1: memref<24xi32, #tpu.memory_space<smem>>, %arg2: memref<256x768xf32, #tpu.memory_space<vmem>>, %arg3: memref<1x768x1536xbf16, #tpu.memory_space<vmem>>, %arg4: memref<1x1x1536xf32, #tpu.memory_space<vmem>>, %arg5: memref<1x1536x768xbf16, #tpu.memory_space<vmem>>, %arg6: memref<1x1x768xf32, #tpu.memory_space<vmem>>, %arg7: memref<256x768xf32, #tpu.memory_space<vmem>>) attributes {dimension_semantics = [#tpu.dimension_semantics<arbitrary>], iteration_bounds = array<i64: 24>, scalar_prefetch = 1 : i64, scratch_operands = 0 : i64, tpu.core_type = #tpu.core_type<tc>, window_params = [{transform_indices = @transform_0, window_bounds = array<i64: 256, 768>}, {transform_indices = @transform_1, window_bounds = array<i64: 1, 768, 1536>}, {transform_indices = @transform_2, window_bounds = array<i64: 1, 1, 1536>}, {transform_indices = @transform_3, window_bounds = array<i64: 1, 1536, 768>}, {transform_indices = @transform_4, window_bounds = array<i64: 1, 1, 768>}, {transform_indices = @transform_5, window_bounds = array<i64: 256, 768>}]} {
    %get3A = arith.constant 0 : index
    %get3A_0 = arith.constant 0 : index
    %get3A_1 = vector.load %arg2[%get3A, %get3A_0] : memref<256x768xf32, #tpu.memory_space<vmem>>, vector<256x768xf32>
    %convert_element_type3A = arith.truncf %get3A_1 : vector<256x768xf32> to vector<256x768xbf16>
    %get3A_2 = arith.constant 0 : index
    %get3A_3 = arith.constant 0 : index
    %get3A_4 = arith.constant 0 : index
    %get3A_5 = vector.load %arg3[%get3A_2, %get3A_3, %get3A_4] : memref<1x768x1536xbf16, #tpu.memory_space<vmem>>, vector<1x768x1536xbf16>
    %get3A_6 = vector.shape_cast %get3A_5 : vector<1x768x1536xbf16> to vector<768x1536xbf16>
    %dot_general3A = arith.constant dense<0.000000e+00> : vector<256x1536xf32>
    %dot_general3A_7 = tpu.matmul %convert_element_type3A, %get3A_6, %dot_general3A {dimension_numbers = #tpu.dot_dimension_numbers<[1], [0], [0], [1], [0, 0, 1, 1], [], []>, transpose_lhs_hint = false} : vector<256x768xbf16>, vector<768x1536xbf16>, vector<256x1536xf32> -> vector<256x1536xf32>
    %get3A_8 = arith.constant 0 : index
    %get3A_9 = arith.constant 0 : index
    %get3A_10 = arith.constant 0 : index
    %get3A_11 = vector.load %arg4[%get3A_8, %get3A_9, %get3A_10] : memref<1x1x1536xf32, #tpu.memory_space<vmem>>, vector<1x1x1536xf32>
    %get3A_12 = vector.shape_cast %get3A_11 : vector<1x1x1536xf32> to vector<1x1536xf32>
    %add3A = vector.broadcast %get3A_12 : vector<1x1536xf32> to vector<256x1536xf32>
    %add3A_13 = arith.addf %dot_general3A_7, %add3A : vector<256x1536xf32>
    %mul3A = arith.constant 5.000000e-01 : f32
    %mul3A_14 = vector.broadcast %mul3A : f32 to vector<256x1536xf32>
    %mul3A_15 = arith.mulf %mul3A_14, %add3A_13 : vector<256x1536xf32>
    %mul3A_16 = arith.constant 0.707106769 : f32
    %mul3A_17 = vector.broadcast %mul3A_16 : f32 to vector<256x1536xf32>
    %mul3A_18 = arith.mulf %add3A_13, %mul3A_17 : vector<256x1536xf32>
    %erf3A = math.erf %mul3A_18 : vector<256x1536xf32>
    %add3A_19 = arith.constant 1.000000e+00 : f32
    %add3A_20 = vector.broadcast %add3A_19 : f32 to vector<256x1536xf32>
    %add3A_21 = arith.addf %add3A_20, %erf3A : vector<256x1536xf32>
    %mul3A_22 = arith.mulf %mul3A_15, %add3A_21 : vector<256x1536xf32>
    %convert_element_type3A_23 = arith.truncf %mul3A_22 : vector<256x1536xf32> to vector<256x1536xbf16>
    %get3A_24 = arith.constant 0 : index
    %get3A_25 = arith.constant 0 : index
    %get3A_26 = arith.constant 0 : index
    %get3A_27 = vector.load %arg5[%get3A_24, %get3A_25, %get3A_26] : memref<1x1536x768xbf16, #tpu.memory_space<vmem>>, vector<1x1536x768xbf16>
    %get3A_28 = vector.shape_cast %get3A_27 : vector<1x1536x768xbf16> to vector<1536x768xbf16>
    %dot_general3A_29 = arith.constant dense<0.000000e+00> : vector<256x768xf32>
    %dot_general3A_30 = tpu.matmul %convert_element_type3A_23, %get3A_28, %dot_general3A_29 {dimension_numbers = #tpu.dot_dimension_numbers<[1], [0], [0], [1], [0, 0, 1, 1], [], []>, transpose_lhs_hint = false} : vector<256x1536xbf16>, vector<1536x768xbf16>, vector<256x768xf32> -> vector<256x768xf32>
    %get3A_31 = arith.constant 0 : index
    %get3A_32 = arith.constant 0 : index
    %get3A_33 = arith.constant 0 : index
    %get3A_34 = vector.load %arg6[%get3A_31, %get3A_32, %get3A_33] : memref<1x1x768xf32, #tpu.memory_space<vmem>>, vector<1x1x768xf32>
    %get3A_35 = vector.shape_cast %get3A_34 : vector<1x1x768xf32> to vector<1x768xf32>
    %add3A_36 = vector.broadcast %get3A_35 : vector<1x768xf32> to vector<256x768xf32>
    %add3A_37 = arith.addf %dot_general3A_30, %add3A_36 : vector<256x768xf32>
    %swap3A = arith.constant 0 : index
    %swap3A_38 = arith.constant 0 : index
    %swap3A_39 = vector.load %arg7[%swap3A, %swap3A_38] : memref<256x768xf32, #tpu.memory_space<vmem>>, vector<256x768xf32>
    tpu.vector_store %arg7[%swap3A, %swap3A_38], %add3A_37 {strides = array<i32>} : memref<256x768xf32, #tpu.memory_space<vmem>>, vector<256x768xf32>,
    return
  }
  func.func @transform_0(%arg0: i32, %arg1: memref<24xi32, #tpu.memory_space<smem>>) -> (i32, i32) {
    %c0_i32 = arith.constant 0 : i32
    %c0_i32_0 = arith.constant 0 : i32
    return %arg0, %c0_i32 : i32, i32
  }
  func.func @transform_1(%arg0: i32, %arg1: memref<24xi32, #tpu.memory_space<smem>>) -> (i32, i32, i32) {
    %get3A = arith.index_cast %arg0 : i32 to index
    %get3A_0 = memref.load %arg1[%get3A] : memref<24xi32, #tpu.memory_space<smem>>
    %c0_i32 = arith.constant 0 : i32
    %c0_i32_1 = arith.constant 0 : i32
    %c0_i32_2 = arith.constant 0 : i32
    return %get3A_0, %c0_i32, %c0_i32_1 : i32, i32, i32
  }
  func.func @transform_2(%arg0: i32, %arg1: memref<24xi32, #tpu.memory_space<smem>>) -> (i32, i32, i32) {
    %get3A = arith.index_cast %arg0 : i32 to index
    %get3A_0 = memref.load %arg1[%get3A] : memref<24xi32, #tpu.memory_space<smem>>
    %c0_i32 = arith.constant 0 : i32
    %c0_i32_1 = arith.constant 0 : i32
    %c0_i32_2 = arith.constant 0 : i32
    return %get3A_0, %c0_i32, %c0_i32_1 : i32, i32, i32
  }
  func.func @transform_3(%arg0: i32, %arg1: memref<24xi32, #tpu.memory_space<smem>>) -> (i32, i32, i32) {
    %get3A = arith.index_cast %arg0 : i32 to index
    %get3A_0 = memref.load %arg1[%get3A] : memref<24xi32, #tpu.memory_space<smem>>
    %c0_i32 = arith.constant 0 : i32
    %c0_i32_1 = arith.constant 0 : i32
    %c0_i32_2 = arith.constant 0 : i32
    return %get3A_0, %c0_i32, %c0_i32_1 : i32, i32, i32
  }
  func.func @transform_4(%arg0: i32, %arg1: memref<24xi32, #tpu.memory_space<smem>>) -> (i32, i32, i32) {
    %get3A = arith.index_cast %arg0 : i32 to index
    %get3A_0 = memref.load %arg1[%get3A] : memref<24xi32, #tpu.memory_space<smem>>
    %c0_i32 = arith.constant 0 : i32
    %c0_i32_1 = arith.constant 0 : i32
    %c0_i32_2 = arith.constant 0 : i32
    return %get3A_0, %c0_i32, %c0_i32_1 : i32, i32, i32
  }
  func.func @transform_5(%arg0: i32, %arg1: memref<24xi32, #tpu.memory_space<smem>>) -> (i32, i32) {
    %c0_i32 = arith.constant 0 : i32
    %c0_i32_0 = arith.constant 0 : i32
    return %arg0, %c0_i32 : i32, i32
  }
}

module attributes {stable_mosaic.version = 14 : i64} {
  func.func @_combine_body(%arg0: i32, %arg1: memref<512x768xf32, #tpu.memory_space<vmem>>, %arg2: memref<512x8xf32, #tpu.memory_space<vmem>>, %arg3: memref<512x768xf32, #tpu.memory_space<vmem>>, %arg4: memref<512x768xf32, #tpu.memory_space<vmem>>, %arg5: memref<512x768xf32, #tpu.memory_space<vmem>>) attributes {dimension_semantics = [#tpu.dimension_semantics<arbitrary>], iteration_bounds = array<i64: 4>, scalar_prefetch = 0 : i64, scratch_operands = 0 : i64, tpu.core_type = #tpu.core_type<tc>, window_params = [{transform_indices = @transform_0, window_bounds = array<i64: 512, 768>}, {transform_indices = @transform_1, window_bounds = array<i64: 512, 8>}, {transform_indices = @transform_2, window_bounds = array<i64: 512, 768>}, {transform_indices = @transform_3, window_bounds = array<i64: 512, 768>}, {transform_indices = @transform_4, window_bounds = array<i64: 512, 768>}]} {
    %iota3A = tpu.iota {dimensions = array<i32: 1>} : vector<512x8xi32>
    %eq3A = arith.constant 0 : i32
    %eq3A_0 = vector.broadcast %eq3A : i32 to vector<512x8xi32>
    %eq3A_1 = arith.cmpi eq, %iota3A, %eq3A_0 : vector<512x8xi32>
    %get3A = arith.constant 0 : index
    %get3A_2 = arith.constant 0 : index
    %get3A_3 = vector.load %arg2[%get3A, %get3A_2] : memref<512x8xf32, #tpu.memory_space<vmem>>, vector<512x8xf32>
    %jit3A = arith.constant 0.000000e+00 : f32
    %broadcast_in_dim3A = vector.broadcast %jit3A : f32 to vector<512x8xf32>
    %select_n3A = arith.select %eq3A_1, %get3A_3, %broadcast_in_dim3A : vector<512x8xi1>, vector<512x8xf32>
    %reduce_sum3A = arith.constant dense<0.000000e+00> : vector<512xf32>
    %reduce_sum3A_4 = vector.multi_reduction <add>, %select_n3A, %reduce_sum3A [1] : vector<512x8xf32> to vector<512xf32>
    %broadcast_in_dim3A_5 = vector.shape_cast %reduce_sum3A_4 : vector<512xf32> to vector<512x1xf32>
    %eq3A_6 = arith.constant 1 : i32
    %eq3A_7 = vector.broadcast %eq3A_6 : i32 to vector<512x8xi32>
    %eq3A_8 = arith.cmpi eq, %iota3A, %eq3A_7 : vector<512x8xi32>
    %get3A_9 = arith.constant 0 : index
    %get3A_10 = arith.constant 0 : index
    %get3A_11 = vector.load %arg2[%get3A_9, %get3A_10] : memref<512x8xf32, #tpu.memory_space<vmem>>, vector<512x8xf32>
    %jit3A_12 = arith.constant 0.000000e+00 : f32
    %broadcast_in_dim3A_13 = vector.broadcast %jit3A_12 : f32 to vector<512x8xf32>
    %select_n3A_14 = arith.select %eq3A_8, %get3A_11, %broadcast_in_dim3A_13 : vector<512x8xi1>, vector<512x8xf32>
    %reduce_sum3A_15 = arith.constant dense<0.000000e+00> : vector<512xf32>
    %reduce_sum3A_16 = vector.multi_reduction <add>, %select_n3A_14, %reduce_sum3A_15 [1] : vector<512x8xf32> to vector<512xf32>
    %broadcast_in_dim3A_17 = vector.shape_cast %reduce_sum3A_16 : vector<512xf32> to vector<512x1xf32>
    %convert_element_type3A = arith.truncf %broadcast_in_dim3A_5 : vector<512x1xf32> to vector<512x1xbf16>
    %convert_element_type3A_18 = arith.extf %convert_element_type3A : vector<512x1xbf16> to vector<512x1xf32>
    %get3A_19 = arith.constant 0 : index
    %get3A_20 = arith.constant 0 : index
    %get3A_21 = vector.load %arg3[%get3A_19, %get3A_20] : memref<512x768xf32, #tpu.memory_space<vmem>>, vector<512x768xf32>
    %convert_element_type3A_22 = arith.truncf %get3A_21 : vector<512x768xf32> to vector<512x768xbf16>
    %convert_element_type3A_23 = arith.extf %convert_element_type3A_22 : vector<512x768xbf16> to vector<512x768xf32>
    %mul3A = vector.broadcast %convert_element_type3A_18 : vector<512x1xf32> to vector<512x768xf32>
    %mul3A_24 = arith.mulf %mul3A, %convert_element_type3A_23 : vector<512x768xf32>
    %convert_element_type3A_25 = arith.truncf %broadcast_in_dim3A_17 : vector<512x1xf32> to vector<512x1xbf16>
    %convert_element_type3A_26 = arith.extf %convert_element_type3A_25 : vector<512x1xbf16> to vector<512x1xf32>
    %get3A_27 = arith.constant 0 : index
    %get3A_28 = arith.constant 0 : index
    %get3A_29 = vector.load %arg4[%get3A_27, %get3A_28] : memref<512x768xf32, #tpu.memory_space<vmem>>, vector<512x768xf32>
    %convert_element_type3A_30 = arith.truncf %get3A_29 : vector<512x768xf32> to vector<512x768xbf16>
    %convert_element_type3A_31 = arith.extf %convert_element_type3A_30 : vector<512x768xbf16> to vector<512x768xf32>
    %mul3A_32 = vector.broadcast %convert_element_type3A_26 : vector<512x1xf32> to vector<512x768xf32>
    %mul3A_33 = arith.mulf %mul3A_32, %convert_element_type3A_31 : vector<512x768xf32>
    %get3A_34 = arith.constant 0 : index
    %get3A_35 = arith.constant 0 : index
    %get3A_36 = vector.load %arg1[%get3A_34, %get3A_35] : memref<512x768xf32, #tpu.memory_space<vmem>>, vector<512x768xf32>
    %add3A = arith.addf %mul3A_24, %mul3A_33 : vector<512x768xf32>
    %add3A_37 = arith.addf %get3A_36, %add3A : vector<512x768xf32>
    %swap3A = arith.constant 0 : index
    %swap3A_38 = arith.constant 0 : index
    %swap3A_39 = vector.load %arg5[%swap3A, %swap3A_38] : memref<512x768xf32, #tpu.memory_space<vmem>>, vector<512x768xf32>
    tpu.vector_store %arg5[%swap3A, %swap3A_38], %add3A_37 {strides = array<i32>} : memref<512x768xf32, #tpu.memory_space<vmem>>, vector<512x768xf32>,
    return
  }
  func.func @transform_0(%arg0: i32) -> (i32, i32) {
    %c0_i32 = arith.constant 0 : i32
    %c0_i32_0 = arith.constant 0 : i32
    return %arg0, %c0_i32 : i32, i32
  }
  func.func @transform_1(%arg0: i32) -> (i32, i32) {
    %c0_i32 = arith.constant 0 : i32
    %c0_i32_0 = arith.constant 0 : i32
    return %arg0, %c0_i32 : i32, i32
  }
  func.func @transform_2(%arg0: i32) -> (i32, i32) {
    %c0_i32 = arith.constant 0 : i32
    %c0_i32_0 = arith.constant 0 : i32
    return %arg0, %c0_i32 : i32, i32
  }
  func.func @transform_3(%arg0: i32) -> (i32, i32) {
    %add3A = arith.constant 4 : i32
    %add3A_0 = arith.addi %arg0, %add3A : i32
    %c0_i32 = arith.constant 0 : i32
    %c0_i32_1 = arith.constant 0 : i32
    return %add3A_0, %c0_i32 : i32, i32
  }
  func.func @transform_4(%arg0: i32) -> (i32, i32) {
    %c0_i32 = arith.constant 0 : i32
    %c0_i32_0 = arith.constant 0 : i32
    return %arg0, %c0_i32 : i32, i32
  }
}

</mosaic_0001>

<sc_bundles>
// kernel: kernel.11.cloned.1.call-start
scs
__scs_entry_jumppad:
0x0: {  	(pc) =	sbr.rel $0x88, $3  }
0x1: {  	(tag) =	ssettag $0x0;
	lr =	simm.s32 $0x1  }
0x2: {  	[smem:$0x3F8F] =	sst lr;
	_ =	strace $0xD0000000  }
0x3: {  	_ = 	snop  }
0x4: {  	_ = 	snop  }
0x5: {  	_ = 	snop  }
0x6: {  	_ = 	snop  }
0x7: {  	_ = 	snop  }
__scs_overlays_trampoline_lowered:
0x8: {  	[smem:$0x3F9E] =	sst s0  }
0x9: {  	[smem:$0x3F9F] =	sst s1  }
0xa: {  	[smem:$0x3FA0] =	sst s2  }
0xb: {  	[smem:$0x3FA1] =	sst s3  }
0xc: {  	[smem:$0x3FA2] =	sst s4  }
0xd: {  	[smem:$0x3FA3] =	sst s5  }
0xe: {  	[smem:$0x3FA4] =	sst s6  }
0xf: {  	[smem:$0x3FA5] =	sst s7  }
0x10: {  	[smem:$0x3FA6] =	sst s8  }
0x11: {  	[smem:$0x3FA7] =	sst s9;
	s0 =	simm.s32 @!p0 $0x0  }
0x12: {  	s1 =	sld [smem:$0x3F8D];
	s0 =	simm.s32 @p0 $0x1  }
0x13: {  	[smem:$0x3FA8] =	sst s0;
	s0 =	simm.s32 @!p1 $0x0  }
0x14: {  	s2 =	sld [smem:$0x3F8C];
	s0 =	simm.s32 @p1 $0x1  }
0x15: {  	[smem:$0x3FA9] =	sst s0;
	s0 =	simm.s32 @!p2 $0x0  }
0x16: {  	s3 =	sld [smem:$0x3FDB];
	s0 =	simm.s32 @p2 $0x1  }
0x17: {  	s4 =	simm.s32 $0x1BF5;
	[smem:$0x3FAB] =	sst s0  }
0x18: {  	s0 =	sld [smem:$0x3F8E];
	_ =	swait.ge [sflag:s4], $0x0  }
0x19: {  	s7 =	sld [smem:$0x3F8F]  }
0x1a: {  	s8 =	sadd.s32 $0xFFFFE003, lr  }
0x1b: {  	s9 =	sadd.s32 $0xFFFFFEF7, lr;
	s5 =	simm.s32 $0xFFFFFFFF;
	p2 =	slt.u32 s8, $0xFFFFF086  }
0x1c: {  	p1 =	slt.u32 s9, $0xF7A;
	s5 =	simm.s32 @!p2 $0x0  }
0x1d: {  	s5 =	simm.s32 @p1 $0x1;
	p0 =	seq.s32 s7, s2  }
0x1e: {  	s7 =	smul.u32 @!p0 $0xF7A, s2;
	p2 =	seq.s32 @!p0 s5, $0x0  }
0x1f: {  	s9 =	smul.u32 $0xF7A, s1;
	s8 =	simm.s32 @!p0 $0x1BF5;
	p2 =	por !p2, p0  }
0x20: {  	[sflag:s8] =	ssyncset.s32 @!p0 $0xFFFFF086;
	s6 =	sadd.s32 @!p0 s3, s7;
	s7 =	simm.s32 @!p0 $0x108  }
0x21: {  	s3 =	sadd.s32 s3, s9;
	s6 =	sadd.s32 @!p0 $0x88, s6;
	s7 =	simm.s32 @p2 $0x1082  }
0x22: {  	[simem:s7], [sflag:s8] =	dma.local @!p0 [hbm:s6], $0xF7A  }
0x23: {  	s9 =	sor.u32 $0xD0000000, s2;
	s6 =	simm.s32 $0x108;
	_ =	swait.ge @!p0 [sflag:s8], $0x0  }
0x24: {  	s3 =	sadd.s32 $0x88, s3;
	s6 =	simm.s32 @!p1 $0x1082;
	[sflag:s4] =	ssyncset.s32 $0xFFFFF086  }
0x25: {  	[simem:s6], [sflag:s4] =	dma.local [hbm:s3], $0xF7A  }
0x26: {  	[smem:$0x3F8F] =	sst s1;
	(tag) =	ssettag s2;
	_ =	strace s9  }
0x27: {  	s1 =	sld [smem:$0x3F9F]  }
0x28: {  	s2 =	sld [smem:$0x3FA0]  }
0x29: {  	s4 =	sld [smem:$0x3FA2]  }
0x2a: {  	p0 =	seq.s32 s5, $0x0;
	s5 =	sld [smem:$0x3FA3]  }
0x2b: {  	s6 =	sld [smem:$0x3FA4]  }
0x2c: {  	s7 =	sld [smem:$0x3FA5]  }
0x2d: {  	s3 =	simm.s32 $0x108;
	s8 =	sld [smem:$0x3FA6]  }
0x2e: {  	s3 =	simm.s32 @!p0 $0x1082;
	s9 =	sld [smem:$0x3FA7]  }
0x2f: {  	lr =	sadd.s32 s0, s3;
	s0 =	sld [smem:$0x3F9E]  }
0x30: {  	s3 =	sld [smem:$0x3FA1]  }
0x31: {  	[smem:$0x3FAA] =	sst s10  }
0x32: {  	s10 =	sld [smem:$0x3FA8];
	_ =	sdelay $0x3  }
0x33: {  	p0 =	seq.s32 s10, $0x1;
	s10 =	sld [smem:$0x3FAA];
	_ =	sdelay $0x3  }
0x34: {  	[smem:$0x3FAA] =	sst s10  }
0x35: {  	s10 =	sld [smem:$0x3FA9];
	_ =	sdelay $0x3  }
0x36: {  	p1 =	seq.s32 s10, $0x1;
	s10 =	sld [smem:$0x3FAA];
	_ =	sdelay $0x3  }
0x37: {  	[smem:$0x3FAA] =	sst s10  }
0x38: {  	s10 =	sld [smem:$0x3FAB]  }
0x39: {  	_ = 	snop;
	(pc) =	sbr.ind lr, $3  }
0x3a: {  	_ = 	snop  }
0x3b: {  	_ = 	snop  }
0x3c: {  	p2 =	seq.s32 s10, $0x1;
	s10 =	sld [smem:$0x3FAA]  }
0x3d: {  	_ =	shalt  }
0x3e: {  	_ =	shalt  }
0x3f: {  	_ =	shalt  }
0x40: {  	_ =	shalt  }
0x41: {  	_ =	shalt  }
0x42: {  	_ =	shalt  }
0x43: {  	_ =	shalt  }
0x44: {  	_ =	shalt  }
0x45: {  	_ =	shalt  }
0x46: {  	_ =	shalt  }
0x47: {  	_ =	shalt  }
0x48: {  	_ =	shalt  }
0x49: {  	_ =	shalt  }
0x4a: {  	_ =	shalt  }
0x4b: {  	_ =	shalt  }
0x4c: {  	_ =	shalt  }
0x4d: {  	_ =	shalt  }
0x4e: {  	_ =	shalt  }
0x4f: {  	_ =	shalt  }
0x50: {  	_ =	shalt  }
0x51: {  	_ =	shalt  }
0x52: {  	_ =	shalt  }
0x53: {  	_ =	shalt  }
0x54: {  	_ =	shalt  }
0x55: {  	_ =	shalt  }
0x56: {  	_ =	shalt  }
0x57: {  	_ =	shalt  }
0x58: {  	_ =	shalt  }
0x59: {  	_ =	shalt  }
0x5a: {  	_ =	shalt  }
0x5b: {  	_ =	shalt  }
0x5c: {  	_ =	shalt  }
0x5d: {  	_ =	shalt  }
0x5e: {  	_ =	shalt  }
0x5f: {  	_ =	shalt  }
0x60: {  	_ =	shalt  }
0x61: {  	_ =	shalt  }
0x62: {  	_ =	shalt  }
0x63: {  	_ =	shalt  }
0x64: {  	_ =	shalt  }
0x65: {  	_ =	shalt  }
0x66: {  	_ =	shalt  }
0x67: {  	_ =	shalt  }
0x68: {  	_ =	shalt  }
0x69: {  	_ =	shalt  }
0x6a: {  	_ =	shalt  }
0x6b: {  	_ =	shalt  }
0x6c: {  	_ =	shalt  }
0x6d: {  	_ =	shalt  }
0x6e: {  	_ =	shalt  }
0x6f: {  	_ =	shalt  }
0x70: {  	_ =	shalt  }
0x71: {  	_ =	shalt  }
0x72: {  	_ =	shalt  }
0x73: {  	_ =	shalt  }
0x74: {  	_ =	shalt  }
0x75: {  	_ =	shalt  }
0x76: {  	_ =	shalt  }
0x77: {  	_ =	shalt  }
0x78: {  	_ =	shalt  }
0x79: {  	_ =	shalt  }
0x7a: {  	_ =	shalt  }
0x7b: {  	_ =	shalt  }
0x7c: {  	_ =	shalt  }
0x7d: {  	_ =	shalt  }
0x7e: {  	_ =	shalt  }
0x7f: {  	_ =	shalt  }
0x80: {  	_ =	shalt  }
0x81: {  	_ =	shalt  }
0x82: {  	_ =	shalt  }
0x83: {  	_ =	shalt  }
0x84: {  	_ =	shalt  }
0x85: {  	_ =	shalt  }
0x86: {  	_ =	shalt  }
0x87: {  	_ =	shalt  }
.Lfunc_end0:
.L_simem_size_0:
called_computation.1_lowered:
.L_overlay_start_0:
0x88: {  	s2 =	sld [smem:$0x3FD9]  }
0x89: {  	s3 =	sld [smem:$0x3FFE];
	_ =	sdelay $0x1  }
0x8a: {  	s1 =	srdreg.scid  }
0x8b: {  	s0 =	sand.u32 $0x1, s1  }
0x8c: {  	s16 =	sshll.u32 s0, $0xA;
	s2 =	sadd.s32 s3, s2  }
0x8d: {  	s2 =	sadd.s32 s2, s16  }
0x8e: {  	[smem:$0x3FB6] =	sst s2  }
0x8f: {  	_ = 	snop  }
0x90: {  	(tm) =	ssettm $0x1  }
0x91: {  	s17 =	sld [smem:$0x3FFB];
	_ =	sdelay $0x3  }
0x92: {  	_ =	strace s17  }
0x93: {  	s2 =	sld [smem:$0x3FFC];
	_ =	sdelay $0x3  }
0x94: {  	_ =	strace s2  }
0x95: {  	s2 =	sld [smem:$0x3FFD];
	_ =	sdelay $0x3  }
0x96: {  	_ =	strace s2  }
0x97: {  	_ =	strace $0x8FFFFFFF  }
0x98: {  	s18 =	sld [smem:$0x3FDB];
	_ =	sdelay $0x1  }
0x99: {  	s19 =	simm.s32 $_scs_section_size  }
0x9a: {  	s4 =	simm.s32 $_size__tile_overlayer_lowered;
	s5 =	simm.s32 $_tile_overlayer_lowered  }
0x9b: {  	s22 =	simm.s32 $0x1BFF;
	s21 =	sshll.u32 s5, $0x1;
	s2 =	sadd.s32 s19, s18  }
0x9c: {  	s6 =	simm.s32 $0x0;
	s20 =	sshll.u32 s4, $0x1;
	s4 =	sadd.s32 s21, s2  }
0x9d: {  	[timem:s6], [sflag:s22] =	dma.local [hbm:s4], s20  }
0x9e: {  	_ =	swait.ge [sflag:s22], s20  }
0x9f: {  	s3 =	ssub.s32 $0x0, s20;
	[sflag:s22] =	ssyncset.done $0x0  }
0xa0: {  	[sflag:s22] =	ssyncadd.s32 s3;
	_ =	sdelay $0x1  }
0xa1: {  	s23 =	simm.s32 $0x1B8B  }
0xa2: {  	_ =	swait.ge [sflag:s23], $0x1  }
0xa3: {  	[sflag:s23] =	ssyncset.done $0x0  }
0xa4: {  	s25 =	simm.s32 $0x1B8E;
	s24 =	sld [smem:$0x3FFE];
	[sflag:s23] =	ssyncadd.s32 $0xFFFFFFFF  }
0xa5: {  	s26 =	simm.s32 $execute0_lowered;
	[smem:$0x3FD2] =	sst s25  }
0xa6: {  	s4 =	sshll.u32 s26, $0x1;
	_ =	strace $0x80000049;
	[dreg:$0x1] =	wrdreg $0xFFFFFFFF  }
0xa7: {  	s28 =	simm.s32 $_size_execute0_lowered;
	s2 =	sadd.s32 s2, s4;
	[dreg:$0x0] =	wrdreg $0x0  }
0xa8: {  	s4 =	sshll.u32 s28, $0x1;
	[dreg:$0x2] =	wrdreg s2  }
0xa9: {  	[dreg:$0x3] =	wrdreg s4  }
0xaa: {  	[dreg:$0x4] =	wrdreg $0xC0  }
0xab: {  	_ =	task [dreg:s6], $0x5FFFF  }
0xac: {  	[dreg:$0x1] =	wrdreg $0xFFFFFFFF  }
0xad: {  	[dreg:$0x0] =	wrdreg $0x60  }
0xae: {  	[dreg:$0x2] =	wrdreg s24  }
0xaf: {  	[dreg:$0x3] =	wrdreg $0x9  }
0xb0: {  	_ =	task.clear_ibuf [dreg:s6], $0x4FFFF;
	_ =	strace $0x90000049  }
0xb1: {  	s29 =	simm.s32 $0x9;
	_ =	strace $0x8000004B  }
0xb2: {  	_ =	swait.ge [sflag:s29], $0x1  }
0xb3: {  	[sflag:s29] =	ssyncadd.s32 $0xFFFFFFFF  }
0xb4: {  	_ =	strace $0x9000004B  }
0xb5: {  	_ =	sfence  }
0xb6: {  	s30 =	sld [smem:$0x0];
	_ =	sdelay $0x2  }
0xb7: {  	s31 =	sshll.u32 s1, $0xD;
	s1 =	sshrl.u32 s1, $0x2  }
0xb8: {  	s3 =	sand.u32 $0x4000, s31;
	s1 =	sadd.s32 s1, s30  }
0xb9: {  	s0 =	sor.u32 s3, s0;
	s1 =	sshll.u32 s1, $0x11  }
0xba: {  	s0 =	sor.u32 s1, s0  }
0xbb: {  	s0 =	sadd.s32 $0x8F2B, s0  }
0xbc: {  	[sflag:s0] =	ssyncadd.remote.s32 $0x1  }
0xbd: {  	_ =	sfence.sel $0xFFFF  }
0xbe: {  	[dreg:$0x0] =	wrdreg $0xFFFFFFFF;
	(pc) =	sbr.abs _section_cstart, $3  }
0xbf: {  	[dreg:$0x1] =	wrdreg $0xFFFFFFFF  }
0xc0: {  	_ =	task.clear_ibuf [dreg:s6], $0x2FFFF;
	_ =	strace $0x9FFFFFFF  }
0xc1: {  	(tm) =	ssettm $0x7FFFFFFF  }
tec
execute0_lowered:
.L_overlay_start_1:
0x0: {  	(tag) =	ssettag $0x1  }
0x1: {  	s1 =	srdreg.scid  }
0x2: {  	s0 =	stileid.u32;
	s1 =	sand.u32 $0x1, s1  }
0x3: {  	s3 =	sshll.u32 s0, $0x5;
	s4 =	sshll.u32 s1, $0x4  }
0x4: {  	s2 =	rddreg [dreg:$0x0];
	s4 =	sor.u32 s4, s3;
	s3 =	simm.s32 $0x0  }
0x5: {  	s26 =	simm.s32 $0x880;
	[smem:$0x7FF] =	sst s3  }
0x6: {  	s0 =	simm.s32 $0x1080;
	_ =	strace $0x8000004A;
	[dreg:$0x4] =	wrdreg s26  }
0x7: {  	s6 =	simm.s32 $0x2080;
	[dreg:$0x5] =	wrdreg s0  }
0x8: {  	s7 =	simm.s32 $0x2880;
	[dreg:$0x7] =	wrdreg s6  }
0x9: {  	s8 =	simm.s32 $0x3080;
	[dreg:$0x8] =	wrdreg s7  }
0xa: {  	s9 =	simm.s32 $0x3880;
	[dreg:$0x9] =	wrdreg s8  }
0xb: {  	s10 =	simm.s32 $0x4080;
	[dreg:$0xa] =	wrdreg s9  }
0xc: {  	s11 =	simm.s32 $0x4880;
	[dreg:$0xb] =	wrdreg s10  }
0xd: {  	s12 =	simm.s32 $0x5080;
	s13 =	simm.s32 $0x5880;
	[dreg:$0xc] =	wrdreg s11  }
0xe: {  	s14 =	simm.s32 $0x6080;
	s15 =	simm.s32 $0x6880;
	[dreg:$0xd] =	wrdreg s12  }
0xf: {  	s16 =	simm.s32 $0x7080;
	s17 =	simm.s32 $0x7880;
	[dreg:$0xe] =	wrdreg s13  }
0x10: {  	s18 =	simm.s32 $0x8080;
	s19 =	simm.s32 $0x8880;
	[dreg:$0xf] =	wrdreg s14  }
0x11: {  	s20 =	simm.s32 $0x9080;
	s22 =	simm.s32 $0x9880;
	[dreg:$0x10] =	wrdreg s15  }
0x12: {  	s23 =	simm.s32 $0xA080;
	s24 =	simm.s32 $0xB880;
	[dreg:$0x11] =	wrdreg s16  }
0x13: {  	s28 =	simm.s32 $0x16080;
	s29 =	simm.s32 $0x16880;
	[dreg:$0x12] =	wrdreg s17  }
0x14: {  	s30 =	simm.s32 $0x17080;
	s1 =	ssub.s32 $0x2, s1;
	[dreg:$0x13] =	wrdreg s18  }
0x15: {  	s31 =	simm.s32 $0x17880;
	s21 =	sshrl.u32 s1, $0x1;
	[dreg:$0x14] =	wrdreg s19  }
0x16: {  	s5 =	smul.u32 $0x300, s4;
	s4 =	sadd.s32 s4, s2;
	[dreg:$0x15] =	wrdreg s20  }
0x17: {  	s1 =	ssub.s32 s1, s21;
	s21 =	simm.s32 $0x13080;
	[dreg:$0x16] =	wrdreg s22  }
0x18: {  	s4 =	sadd.s32 $0x1E0400, s4;
	[dreg:$0x17] =	wrdreg s23;
	s6 =	simm.s32 $0xA880  }
0x19: {  	s7 =	simm.s32 $0xB080;
	[dreg:$0x1a] =	wrdreg s24;
	s8 =	simm.s32 $0x80  }
0x1a: {  	s26 =	simm.s32 $0xC880;
	s10 =	simm.s32 $0xD880;
	s11 =	simm.s32 $0xE080  }
0x1b: {  	s12 =	simm.s32 $0xE880;
	s13 =	simm.s32 $0xF080;
	s14 =	simm.s32 $0xF880  }
0x1c: {  	s15 =	simm.s32 $0x10080;
	s16 =	simm.s32 $0x10880;
	s17 =	simm.s32 $0x11080  }
0x1d: {  	s18 =	simm.s32 $0x11880;
	s19 =	simm.s32 $0x12080;
	s20 =	simm.s32 $0x12880  }
0x1e: {  	s22 =	simm.s32 $0x13880;
	s23 =	simm.s32 $0x14080;
	[dreg:$0x2] =	wrdreg s4  }
0x1f: {  	s24 =	simm.s32 $0x14880;
	s5 =	sadd.s32 s5, s2;
	[dreg:$0x18] =	wrdreg s6  }
0x20: {  	s4 =	sadd.s32 $0x100, s2;
	s6 =	smax.u32 s1, $0x1;
	[dreg:$0x19] =	wrdreg s7  }
0x21: {  	s7 =	simm.s32 $0x2;
	[dreg:$0x1c] =	wrdreg s26;
	s25 =	sadd.s32 $0x90000, s5  }
0x22: {  	v2 =	vlaneseq.u32;
	s26 =	simm.s32 $0x15880;
	s5 =	simm.s32 $0x1880;
	[dreg:$0x3] =	wrdreg s25  }
0x23: {  	vm0 =	vmmov $0xffff;
	v1 =	vshrl.u32 v2, $0x3;
	s1 =	simm.s32 $0x1;
	[dreg:$0x6] =	wrdreg s5;
	s25 =	simm.s32 $0xC080  }
0x24: {  	v0 =	vand.u32 $0x7, v2;
	v2 =	vor.u32 $0x8, v2;
	v1 =	vmul.u32 $0x8, v1;
	s5 =	sadd.s32 $0x200, s2;
	[dreg:$0x1b] =	wrdreg s25;
	s25 =	simm.s32 $0x15080  }
.LBB2_1:
0x25: {  	s0 =	rddreg [dreg:$0x2]  }
0x26: {  	[tilespmem:s3], [sflag:$0x2] =	stream.linear.gather [hbm4b:s0+s3], $0x80, $0x38;
	[tilespmem:$0x18080] =	vst v63  }
0x27: {  	_ =	swait.ge [sflag:s7], $0x80  }
0x28: {  	[sflag:s7] =	ssyncset.done $0x0  }
0x29: {  	[sflag:s7] =	ssyncadd.s32 $0xFFFFFF80  }
0x2a: {  	v3 =	vld [tilespmem:$0x0];
	_ =	sdelay $0x4  }
0x2b: {  	v4 =	vshrl.u32 v3, $0x3  }
0x2c: {  	v4 =	vmul.u32 $0x30, v4  }
0x2d: {  	v3 =	vand.u32 $0x7, v3  }
0x2e: {  	v3 =	vor.u32 v3, v4  }
0x2f: {  	v4 =	vperm.xlane v3, v0;
	_ =	sdelay $0x1  }
0x30: {  	v4 =	vadd.s32 v1, v4;
	_ =	sdelay $0x3  }
0x31: {  	v3 =	vperm.xlane v3, v2  }
0x32: {  	[tilespmem:s8], [sflag:$0x1] =	stream.indirect_vreg.gather [hbm4b:s2+s3], $0x80, v4, vm0, $0xb8;
	[tilespmem:$0x18080] =	vst v63  }
0x33: {  	s0 =	rddreg [dreg:$0x4];
	v3 =	vadd.s32 v1, v3  }
0x34: {  	[tilespmem:s0], [sflag:$0x1] =	stream.indirect_vreg.gather [hbm4b:s4+s3], $0x80, v4, vm0, $0xb8;
	[tilespmem:$0x18080] =	vst v63  }
0x35: {  	s9 =	rddreg [dreg:$0x5]  }
0x36: {  	[tilespmem:s9], [sflag:$0x1] =	stream.indirect_vreg.gather [hbm4b:s5+s3], $0x80, v4, vm0, $0xb8;
	[tilespmem:$0x18080] =	vst v63  }
0x37: {  	s0 =	rddreg [dreg:$0x6]  }
0x38: {  	[tilespmem:s0], [sflag:$0x1] =	stream.indirect_vreg.gather [hbm4b:s2+s3], $0x80, v3, vm0, $0xb8;
	[tilespmem:$0x18080] =	vst v63  }
0x39: {  	s9 =	rddreg [dreg:$0x7]  }
0x3a: {  	[tilespmem:s9], [sflag:$0x1] =	stream.indirect_vreg.gather [hbm4b:s4+s3], $0x80, v3, vm0, $0xb8;
	[tilespmem:$0x18080] =	vst v63  }
0x3b: {  	s0 =	rddreg [dreg:$0x8]  }
0x3c: {  	[tilespmem:s0], [sflag:$0x1] =	stream.indirect_vreg.gather [hbm4b:s5+s3], $0x80, v3, vm0, $0xb8;
	[tilespmem:$0x18080] =	vst v63  }
0x3d: {  	v3 =	vld [tilespmem:$0x10];
	_ =	sdelay $0x4  }
0x3e: {  	v57 =	vshrl.u32 v3, $0x3  }
0x3f: {  	v4 =	vmul.u32 $0x30, v57  }
0x40: {  	v3 =	vand.u32 $0x7, v3  }
0x41: {  	v3 =	vor.u32 v3, v4  }
0x42: {  	v4 =	vperm.xlane v3, v0;
	_ =	sdelay $0x1  }
0x43: {  	v4 =	vadd.s32 v1, v4;
	_ =	sdelay $0x3  }
0x44: {  	s0 =	rddreg [dreg:$0x9];
	v3 =	vperm.xlane v3, v2  }
0x45: {  	[tilespmem:s0], [sflag:$0x1] =	stream.indirect_vreg.gather [hbm4b:s2+s3], $0x80, v4, vm0, $0xb8;
	[tilespmem:$0x18080] =	vst v63  }
0x46: {  	s9 =	rddreg [dreg:$0xa];
	v3 =	vadd.s32 v1, v3  }
0x47: {  	[tilespmem:s9], [sflag:$0x1] =	stream.indirect_vreg.gather [hbm4b:s4+s3], $0x80, v4, vm0, $0xb8;
	[tilespmem:$0x18080] =	vst v63  }
0x48: {  	s0 =	rddreg [dreg:$0xb]  }
0x49: {  	[tilespmem:s0], [sflag:$0x1] =	stream.indirect_vreg.gather [hbm4b:s5+s3], $0x80, v4, vm0, $0xb8;
	[tilespmem:$0x18080] =	vst v63  }
0x4a: {  	s9 =	rddreg [dreg:$0xc]  }
0x4b: {  	[tilespmem:s9], [sflag:$0x1] =	stream.indirect_vreg.gather [hbm4b:s2+s3], $0x80, v3, vm0, $0xb8;
	[tilespmem:$0x18080] =	vst v63  }
0x4c: {  	s0 =	rddreg [dreg:$0xd]  }
0x4d: {  	[tilespmem:s0], [sflag:$0x1] =	stream.indirect_vreg.gather [hbm4b:s4+s3], $0x80, v3, vm0, $0xb8;
	[tilespmem:$0x18080] =	vst v63  }
0x4e: {  	s9 =	rddreg [dreg:$0xe]  }
0x4f: {  	[tilespmem:s9], [sflag:$0x1] =	stream.indirect_vreg.gather [hbm4b:s5+s3], $0x80, v3, vm0, $0xb8;
	[tilespmem:$0x18080] =	vst v63  }
0x50: {  	v3 =	vld [tilespmem:$0x20];
	_ =	sdelay $0x4  }
0x51: {  	v58 =	vshrl.u32 v3, $0x3  }
0x52: {  	v4 =	vmul.u32 $0x30, v58  }
0x53: {  	v3 =	vand.u32 $0x7, v3  }
0x54: {  	v3 =	vor.u32 v3, v4  }
0x55: {  	v4 =	vperm.xlane v3, v0;
	_ =	sdelay $0x1  }
0x56: {  	v4 =	vadd.s32 v1, v4;
	_ =	sdelay $0x3  }
0x57: {  	s0 =	rddreg [dreg:$0xf];
	v3 =	vperm.xlane v3, v2  }
0x58: {  	[tilespmem:s0], [sflag:$0x1] =	stream.indirect_vreg.gather [hbm4b:s2+s3], $0x80, v4, vm0, $0xb8;
	[tilespmem:$0x18080] =	vst v63  }
0x59: {  	s9 =	rddreg [dreg:$0x10];
	v3 =	vadd.s32 v1, v3  }
0x5a: {  	[tilespmem:s9], [sflag:$0x1] =	stream.indirect_vreg.gather [hbm4b:s4+s3], $0x80, v4, vm0, $0xb8;
	[tilespmem:$0x18080] =	vst v63  }
0x5b: {  	s0 =	rddreg [dreg:$0x11]  }
0x5c: {  	[tilespmem:s0], [sflag:$0x1] =	stream.indirect_vreg.gather [hbm4b:s5+s3], $0x80, v4, vm0, $0xb8;
	[tilespmem:$0x18080] =	vst v63  }
0x5d: {  	s9 =	rddreg [dreg:$0x12]  }
0x5e: {  	[tilespmem:s9], [sflag:$0x1] =	stream.indirect_vreg.gather [hbm4b:s2+s3], $0x80, v3, vm0, $0xb8;
	[tilespmem:$0x18080] =	vst v63  }
0x5f: {  	s0 =	rddreg [dreg:$0x13]  }
0x60: {  	[tilespmem:s0], [sflag:$0x1] =	stream.indirect_vreg.gather [hbm4b:s4+s3], $0x80, v3, vm0, $0xb8;
	[tilespmem:$0x18080] =	vst v63  }
0x61: {  	s9 =	rddreg [dreg:$0x14]  }
0x62: {  	[tilespmem:s9], [sflag:$0x1] =	stream.indirect_vreg.gather [hbm4b:s5+s3], $0x80, v3, vm0, $0xb8;
	[tilespmem:$0x18080] =	vst v63  }
0x63: {  	v3 =	vld [tilespmem:$0x30];
	_ =	sdelay $0x4  }
0x64: {  	v59 =	vshrl.u32 v3, $0x3  }
0x65: {  	v4 =	vmul.u32 $0x30, v59  }
0x66: {  	v3 =	vand.u32 $0x7, v3  }
0x67: {  	v3 =	vor.u32 v3, v4  }
0x68: {  	v4 =	vperm.xlane v3, v0;
	_ =	sdelay $0x1  }
0x69: {  	v4 =	vadd.s32 v1, v4;
	_ =	sdelay $0x3  }
0x6a: {  	s0 =	rddreg [dreg:$0x15];
	v3 =	vperm.xlane v3, v2  }
0x6b: {  	[tilespmem:s0], [sflag:$0x1] =	stream.indirect_vreg.gather [hbm4b:s2+s3], $0x80, v4, vm0, $0xb8;
	[tilespmem:$0x18080] =	vst v63  }
0x6c: {  	s9 =	rddreg [dreg:$0x16];
	v3 =	vadd.s32 v1, v3  }
0x6d: {  	[tilespmem:s9], [sflag:$0x1] =	stream.indirect_vreg.gather [hbm4b:s4+s3], $0x80, v4, vm0, $0xb8;
	[tilespmem:$0x18080] =	vst v63  }
0x6e: {  	s0 =	rddreg [dreg:$0x17]  }
0x6f: {  	[tilespmem:s0], [sflag:$0x1] =	stream.indirect_vreg.gather [hbm4b:s5+s3], $0x80, v4, vm0, $0xb8;
	[tilespmem:$0x18080] =	vst v63  }
0x70: {  	s9 =	rddreg [dreg:$0x18]  }
0x71: {  	[tilespmem:s9], [sflag:$0x1] =	stream.indirect_vreg.gather [hbm4b:s2+s3], $0x80, v3, vm0, $0xb8;
	[tilespmem:$0x18080] =	vst v63  }
0x72: {  	s0 =	rddreg [dreg:$0x19]  }
0x73: {  	[tilespmem:s0], [sflag:$0x1] =	stream.indirect_vreg.gather [hbm4b:s4+s3], $0x80, v3, vm0, $0xb8;
	[tilespmem:$0x18080] =	vst v63  }
0x74: {  	s9 =	rddreg [dreg:$0x1a]  }
0x75: {  	[tilespmem:s9], [sflag:$0x1] =	stream.indirect_vreg.gather [hbm4b:s5+s3], $0x80, v3, vm0, $0xb8;
	[tilespmem:$0x18080] =	vst v63  }
0x76: {  	v3 =	vld [tilespmem:$0x40];
	_ =	sdelay $0x4  }
0x77: {  	v60 =	vshrl.u32 v3, $0x3  }
0x78: {  	v4 =	vmul.u32 $0x30, v60  }
0x79: {  	v3 =	vand.u32 $0x7, v3  }
0x7a: {  	v3 =	vor.u32 v3, v4  }
0x7b: {  	v4 =	vperm.xlane v3, v0;
	_ =	sdelay $0x1  }
0x7c: {  	v4 =	vadd.s32 v1, v4;
	_ =	sdelay $0x3  }
0x7d: {  	s0 =	rddreg [dreg:$0x1b];
	v3 =	vperm.xlane v3, v2  }
0x7e: {  	[tilespmem:s0], [sflag:$0x1] =	stream.indirect_vreg.gather [hbm4b:s2+s3], $0x80, v4, vm0, $0xb8;
	[tilespmem:$0x18080] =	vst v63  }
0x7f: {  	s9 =	rddreg [dreg:$0x1c];
	v3 =	vadd.s32 v1, v3  }
0x80: {  	[tilespmem:s9], [sflag:$0x1] =	stream.indirect_vreg.gather [hbm4b:s4+s3], $0x80, v4, vm0, $0xb8;
	[tilespmem:$0x18080] =	vst v63  }
0x81: {  	s9 =	simm.s32 $0xD080  }
0x82: {  	[tilespmem:s9], [sflag:$0x1] =	stream.indirect_vreg.gather [hbm4b:s5+s3], $0x80, v4, vm0, $0xb8;
	[tilespmem:$0x18080] =	vst v63  }
0x83: {  	_ = 	snop  }
0x84: {  	[tilespmem:s10], [sflag:$0x1] =	stream.indirect_vreg.gather [hbm4b:s2+s3], $0x80, v3, vm0, $0xb8;
	[tilespmem:$0x18080] =	vst v63  }
0x85: {  	_ = 	snop  }
0x86: {  	[tilespmem:s11], [sflag:$0x1] =	stream.indirect_vreg.gather [hbm4b:s4+s3], $0x80, v3, vm0, $0xb8;
	[tilespmem:$0x18080] =	vst v63  }
0x87: {  	_ = 	snop  }
0x88: {  	[tilespmem:s12], [sflag:$0x1] =	stream.indirect_vreg.gather [hbm4b:s5+s3], $0x80, v3, vm0, $0xb8;
	[tilespmem:$0x18080] =	vst v63  }
0x89: {  	v3 =	vld [tilespmem:$0x50];
	_ =	sdelay $0x4  }
0x8a: {  	v61 =	vshrl.u32 v3, $0x3  }
0x8b: {  	v4 =	vmul.u32 $0x30, v61  }
0x8c: {  	v3 =	vand.u32 $0x7, v3  }
0x8d: {  	v3 =	vor.u32 v3, v4  }
0x8e: {  	v4 =	vperm.xlane v3, v0;
	_ =	sdelay $0x1  }
0x8f: {  	v4 =	vadd.s32 v1, v4;
	_ =	sdelay $0x3  }
0x90: {  	v3 =	vperm.xlane v3, v2  }
0x91: {  	[tilespmem:s13], [sflag:$0x1] =	stream.indirect_vreg.gather [hbm4b:s2+s3], $0x80, v4, vm0, $0xb8;
	[tilespmem:$0x18080] =	vst v63  }
0x92: {  	v3 =	vadd.s32 v1, v3  }
0x93: {  	[tilespmem:s14], [sflag:$0x1] =	stream.indirect_vreg.gather [hbm4b:s4+s3], $0x80, v4, vm0, $0xb8;
	[tilespmem:$0x18080] =	vst v63  }
0x94: {  	_ = 	snop  }
0x95: {  	[tilespmem:s15], [sflag:$0x1] =	stream.indirect_vreg.gather [hbm4b:s5+s3], $0x80, v4, vm0, $0xb8;
	[tilespmem:$0x18080] =	vst v63  }
0x96: {  	_ = 	snop  }
0x97: {  	[tilespmem:s16], [sflag:$0x1] =	stream.indirect_vreg.gather [hbm4b:s2+s3], $0x80, v3, vm0, $0xb8;
	[tilespmem:$0x18080] =	vst v63  }
0x98: {  	_ = 	snop  }
0x99: {  	[tilespmem:s17], [sflag:$0x1] =	stream.indirect_vreg.gather [hbm4b:s4+s3], $0x80, v3, vm0, $0xb8;
	[tilespmem:$0x18080] =	vst v63  }
0x9a: {  	_ = 	snop  }
0x9b: {  	[tilespmem:s18], [sflag:$0x1] =	stream.indirect_vreg.gather [hbm4b:s5+s3], $0x80, v3, vm0, $0xb8;
	[tilespmem:$0x18080] =	vst v63  }
0x9c: {  	v3 =	vld [tilespmem:$0x60];
	_ =	sdelay $0x4  }
0x9d: {  	v62 =	vshrl.u32 v3, $0x3  }
0x9e: {  	v4 =	vmul.u32 $0x30, v62  }
0x9f: {  	v3 =	vand.u32 $0x7, v3  }
0xa0: {  	v3 =	vor.u32 v3, v4  }
0xa1: {  	v4 =	vperm.xlane v3, v0;
	_ =	sdelay $0x1  }
0xa2: {  	v4 =	vadd.s32 v1, v4;
	_ =	sdelay $0x3  }
0xa3: {  	v3 =	vperm.xlane v3, v2  }
0xa4: {  	[tilespmem:s19], [sflag:$0x1] =	stream.indirect_vreg.gather [hbm4b:s2+s3], $0x80, v4, vm0, $0xb8;
	[tilespmem:$0x18080] =	vst v63  }
0xa5: {  	v3 =	vadd.s32 v1, v3  }
0xa6: {  	[tilespmem:s20], [sflag:$0x1] =	stream.indirect_vreg.gather [hbm4b:s4+s3], $0x80, v4, vm0, $0xb8;
	[tilespmem:$0x18080] =	vst v63  }
0xa7: {  	_ = 	snop  }
0xa8: {  	[tilespmem:s21], [sflag:$0x1] =	stream.indirect_vreg.gather [hbm4b:s5+s3], $0x80, v4, vm0, $0xb8;
	[tilespmem:$0x18080] =	vst v63  }
0xa9: {  	_ = 	snop  }
0xaa: {  	[tilespmem:s22], [sflag:$0x1] =	stream.indirect_vreg.gather [hbm4b:s2+s3], $0x80, v3, vm0, $0xb8;
	[tilespmem:$0x18080] =	vst v63  }
0xab: {  	_ = 	snop  }
0xac: {  	[tilespmem:s23], [sflag:$0x1] =	stream.indirect_vreg.gather [hbm4b:s4+s3], $0x80, v3, vm0, $0xb8;
	[tilespmem:$0x18080] =	vst v63  }
0xad: {  	_ = 	snop  }
0xae: {  	[tilespmem:s24], [sflag:$0x1] =	stream.indirect_vreg.gather [hbm4b:s5+s3], $0x80, v3, vm0, $0xb8;
	[tilespmem:$0x18080] =	vst v63  }
0xaf: {  	v3 =	vld [tilespmem:$0x70];
	_ =	sdelay $0x4  }
0xb0: {  	v63 =	vshrl.u32 v3, $0x3  }
0xb1: {  	v4 =	vmul.u32 $0x30, v63  }
0xb2: {  	v3 =	vand.u32 $0x7, v3  }
0xb3: {  	v3 =	vor.u32 v3, v4  }
0xb4: {  	v4 =	vperm.xlane v3, v0;
	_ =	sdelay $0x1  }
0xb5: {  	v4 =	vadd.s32 v1, v4;
	_ =	sdelay $0x3  }
0xb6: {  	v3 =	vperm.xlane v3, v2  }
0xb7: {  	[tilespmem:s25], [sflag:$0x1] =	stream.indirect_vreg.gather [hbm4b:s2+s3], $0x80, v4, vm0, $0xb8;
	[tilespmem:$0x18080] =	vst v63  }
0xb8: {  	v3 =	vadd.s32 v1, v3  }
0xb9: {  	[tilespmem:s26], [sflag:$0x1] =	stream.indirect_vreg.gather [hbm4b:s4+s3], $0x80, v4, vm0, $0xb8;
	[tilespmem:$0x18080] =	vst v63  }
0xba: {  	_ = 	snop  }
0xbb: {  	[tilespmem:s28], [sflag:$0x1] =	stream.indirect_vreg.gather [hbm4b:s5+s3], $0x80, v4, vm0, $0xb8;
	[tilespmem:$0x18080] =	vst v63  }
0xbc: {  	_ = 	snop  }
0xbd: {  	[tilespmem:s29], [sflag:$0x1] =	stream.indirect_vreg.gather [hbm4b:s2+s3], $0x80, v3, vm0, $0xb8;
	[tilespmem:$0x18080] =	vst v63  }
0xbe: {  	_ = 	snop  }
0xbf: {  	[tilespmem:s30], [sflag:$0x1] =	stream.indirect_vreg.gather [hbm4b:s4+s3], $0x80, v3, vm0, $0xb8;
	[tilespmem:$0x18080] =	vst v63  }
0xc0: {  	_ = 	snop  }
0xc1: {  	[tilespmem:s31], [sflag:$0x1] =	stream.indirect_vreg.gather [hbm4b:s5+s3], $0x80, v3, vm0, $0xb8;
	[tilespmem:$0x18080] =	vst v63  }
0xc2: {  	_ =	swait.ge [sflag:s1], $0x18000  }
0xc3: {  	p0 =	sne.s32 s6, $0x1;
	[sflag:s1] =	ssyncset.done $0x0  }
.Ltmp0:
0xc4: {  	s9 =	rddreg [dreg:$0x3];
	[sflag:s1] =	ssyncadd.s32 $0xFFFE8000;
	(pc) =	sbr.rel @p0 .LBB2_1-.Ltmp0, $4  }
0xc5: {  	[hbm4b:s9+s3] =	stream.linear.scatter [tilespmem:s8], [sflag:$0x2], $0x18000, $0x38;
	[tilespmem:$0x18080] =	vst v63  }
0xc6: {  	_ =	swait.ge [sflag:s7], $0x18000  }
0xc7: {  	[sflag:s7] =	ssyncset.done $0x0  }
0xc8: {  	s6 =	sadd.s32 $0xFFFFFFFF, s6;
	[sflag:s7] =	ssyncadd.s32 $0xFFFE8000  }
0xc9: {  	_ =	sfence.sel $0x180000  }
0xca: {  	[bflag:$0x0] =	sbarrier.arrive $0xFFFF  }
0xcb: {  	_ =	strace $0x9000004A  }
0xcc: {  	s0 =	stileid.u32;
	[bflag:$0x2] =	sbarrier.arrive $0xFFFF  }
0xcd: {  	p0 =	sne.s32 s0, $0x0;
	s0 =	rddreg [dreg:$0x1]  }
0xce: {  	s0 =	sadd.s32 @!p0 $0x100000, s0  }
0xcf: {  	[sflag:s0] =	ssyncadd.tile.s32 @!p0 $0x1;
	_ =	shalt  }
.Lfunc_end2:
_tile_overlayer_lowered:
.L_overlay_start_2:
0xd0: {  	(tag) =	ssettag $0x2  }
0xd1: {  	s0 =	rddreg [dreg:$0x0];
	s2 =	stileid.u32  }
0xd2: {  	s1 =	rddreg [dreg:$0x1];
	p0 =	sne.s32 s2, $0x0  }
0xd3: {  	s3 =	rddreg [dreg:$0x2];
	[bflag:$0x3] =	sbarrier.arrive $0xFFFF;
	s2 =	simm.s32 @!p0 $0x1C02  }
0xd4: {  	[timem:s3], [sflag:s2] =	dma.local @!p0 [hbm:s0], s1  }
0xd5: {  	s0 =	simm.s32 @!p0 $0x2  }
0xd6: {  	_ =	swait.ge @!p0 [sflag:s0], s1  }
0xd7: {  	s1 =	ssub.s32 @!p0 $0x0, s1;
	[sflag:s0] =	ssyncset.done @!p0 $0x0  }
0xd8: {  	[sflag:s0] =	ssyncadd.s32 @!p0 s1  }
0xd9: {  	[bflag:$0x3] =	sbarrier.arrive $0xFFFF  }
0xda: {  	_ =	shalt  }

// kernel: kernel.8.cloned.1.call-start
scs
__scs_entry_jumppad:
0x0: {  	(pc) =	sbr.rel $0x88, $3  }
0x1: {  	(tag) =	ssettag $0x0;
	lr =	simm.s32 $0x1  }
0x2: {  	[smem:$0x3F8F] =	sst lr;
	_ =	strace $0xD0000000  }
0x3: {  	_ = 	snop  }
0x4: {  	_ = 	snop  }
0x5: {  	_ = 	snop  }
0x6: {  	_ = 	snop  }
0x7: {  	_ = 	snop  }
__scs_overlays_trampoline_lowered:
0x8: {  	[smem:$0x3F9E] =	sst s0  }
0x9: {  	[smem:$0x3F9F] =	sst s1  }
0xa: {  	[smem:$0x3FA0] =	sst s2  }
0xb: {  	[smem:$0x3FA1] =	sst s3  }
0xc: {  	[smem:$0x3FA2] =	sst s4  }
0xd: {  	[smem:$0x3FA3] =	sst s5  }
0xe: {  	[smem:$0x3FA4] =	sst s6  }
0xf: {  	[smem:$0x3FA5] =	sst s7  }
0x10: {  	[smem:$0x3FA6] =	sst s8  }
0x11: {  	[smem:$0x3FA7] =	sst s9;
	s0 =	simm.s32 @!p0 $0x0  }
0x12: {  	s1 =	sld [smem:$0x3F8D];
	s0 =	simm.s32 @p0 $0x1  }
0x13: {  	[smem:$0x3FA8] =	sst s0;
	s0 =	simm.s32 @!p1 $0x0  }
0x14: {  	s2 =	sld [smem:$0x3F8C];
	s0 =	simm.s32 @p1 $0x1  }
0x15: {  	[smem:$0x3FA9] =	sst s0;
	s0 =	simm.s32 @!p2 $0x0  }
0x16: {  	s3 =	sld [smem:$0x3FDB];
	s0 =	simm.s32 @p2 $0x1  }
0x17: {  	s4 =	simm.s32 $0x1BF5;
	[smem:$0x3FAB] =	sst s0  }
0x18: {  	s0 =	sld [smem:$0x3F8E];
	_ =	swait.ge [sflag:s4], $0x0  }
0x19: {  	s7 =	sld [smem:$0x3F8F]  }
0x1a: {  	s8 =	sadd.s32 $0xFFFFE003, lr  }
0x1b: {  	s9 =	sadd.s32 $0xFFFFFEF7, lr;
	s5 =	simm.s32 $0xFFFFFFFF;
	p2 =	slt.u32 s8, $0xFFFFF086  }
0x1c: {  	p1 =	slt.u32 s9, $0xF7A;
	s5 =	simm.s32 @!p2 $0x0  }
0x1d: {  	s5 =	simm.s32 @p1 $0x1;
	p0 =	seq.s32 s7, s2  }
0x1e: {  	s7 =	smul.u32 @!p0 $0xF7A, s2;
	p2 =	seq.s32 @!p0 s5, $0x0  }
0x1f: {  	s9 =	smul.u32 $0xF7A, s1;
	s8 =	simm.s32 @!p0 $0x1BF5;
	p2 =	por !p2, p0  }
0x20: {  	[sflag:s8] =	ssyncset.s32 @!p0 $0xFFFFF086;
	s6 =	sadd.s32 @!p0 s3, s7;
	s7 =	simm.s32 @!p0 $0x108  }
0x21: {  	s3 =	sadd.s32 s3, s9;
	s6 =	sadd.s32 @!p0 $0x88, s6;
	s7 =	simm.s32 @p2 $0x1082  }
0x22: {  	[simem:s7], [sflag:s8] =	dma.local @!p0 [hbm:s6], $0xF7A  }
0x23: {  	s9 =	sor.u32 $0xD0000000, s2;
	s6 =	simm.s32 $0x108;
	_ =	swait.ge @!p0 [sflag:s8], $0x0  }
0x24: {  	s3 =	sadd.s32 $0x88, s3;
	s6 =	simm.s32 @!p1 $0x1082;
	[sflag:s4] =	ssyncset.s32 $0xFFFFF086  }
0x25: {  	[simem:s6], [sflag:s4] =	dma.local [hbm:s3], $0xF7A  }
0x26: {  	[smem:$0x3F8F] =	sst s1;
	(tag) =	ssettag s2;
	_ =	strace s9  }
0x27: {  	s1 =	sld [smem:$0x3F9F]  }
0x28: {  	s2 =	sld [smem:$0x3FA0]  }
0x29: {  	s4 =	sld [smem:$0x3FA2]  }
0x2a: {  	p0 =	seq.s32 s5, $0x0;
	s5 =	sld [smem:$0x3FA3]  }
0x2b: {  	s6 =	sld [smem:$0x3FA4]  }
0x2c: {  	s7 =	sld [smem:$0x3FA5]  }
0x2d: {  	s3 =	simm.s32 $0x108;
	s8 =	sld [smem:$0x3FA6]  }
0x2e: {  	s3 =	simm.s32 @!p0 $0x1082;
	s9 =	sld [smem:$0x3FA7]  }
0x2f: {  	lr =	sadd.s32 s0, s3;
	s0 =	sld [smem:$0x3F9E]  }
0x30: {  	s3 =	sld [smem:$0x3FA1]  }
0x31: {  	[smem:$0x3FAA] =	sst s10  }
0x32: {  	s10 =	sld [smem:$0x3FA8];
	_ =	sdelay $0x3  }
0x33: {  	p0 =	seq.s32 s10, $0x1;
	s10 =	sld [smem:$0x3FAA];
	_ =	sdelay $0x3  }
0x34: {  	[smem:$0x3FAA] =	sst s10  }
0x35: {  	s10 =	sld [smem:$0x3FA9];
	_ =	sdelay $0x3  }
0x36: {  	p1 =	seq.s32 s10, $0x1;
	s10 =	sld [smem:$0x3FAA];
	_ =	sdelay $0x3  }
0x37: {  	[smem:$0x3FAA] =	sst s10  }
0x38: {  	s10 =	sld [smem:$0x3FAB]  }
0x39: {  	_ = 	snop;
	(pc) =	sbr.ind lr, $3  }
0x3a: {  	_ = 	snop  }
0x3b: {  	_ = 	snop  }
0x3c: {  	p2 =	seq.s32 s10, $0x1;
	s10 =	sld [smem:$0x3FAA]  }
0x3d: {  	_ =	shalt  }
0x3e: {  	_ =	shalt  }
0x3f: {  	_ =	shalt  }
0x40: {  	_ =	shalt  }
0x41: {  	_ =	shalt  }
0x42: {  	_ =	shalt  }
0x43: {  	_ =	shalt  }
0x44: {  	_ =	shalt  }
0x45: {  	_ =	shalt  }
0x46: {  	_ =	shalt  }
0x47: {  	_ =	shalt  }
0x48: {  	_ =	shalt  }
0x49: {  	_ =	shalt  }
0x4a: {  	_ =	shalt  }
0x4b: {  	_ =	shalt  }
0x4c: {  	_ =	shalt  }
0x4d: {  	_ =	shalt  }
0x4e: {  	_ =	shalt  }
0x4f: {  	_ =	shalt  }
0x50: {  	_ =	shalt  }
0x51: {  	_ =	shalt  }
0x52: {  	_ =	shalt  }
0x53: {  	_ =	shalt  }
0x54: {  	_ =	shalt  }
0x55: {  	_ =	shalt  }
0x56: {  	_ =	shalt  }
0x57: {  	_ =	shalt  }
0x58: {  	_ =	shalt  }
0x59: {  	_ =	shalt  }
0x5a: {  	_ =	shalt  }
0x5b: {  	_ =	shalt  }
0x5c: {  	_ =	shalt  }
0x5d: {  	_ =	shalt  }
0x5e: {  	_ =	shalt  }
0x5f: {  	_ =	shalt  }
0x60: {  	_ =	shalt  }
0x61: {  	_ =	shalt  }
0x62: {  	_ =	shalt  }
0x63: {  	_ =	shalt  }
0x64: {  	_ =	shalt  }
0x65: {  	_ =	shalt  }
0x66: {  	_ =	shalt  }
0x67: {  	_ =	shalt  }
0x68: {  	_ =	shalt  }
0x69: {  	_ =	shalt  }
0x6a: {  	_ =	shalt  }
0x6b: {  	_ =	shalt  }
0x6c: {  	_ =	shalt  }
0x6d: {  	_ =	shalt  }
0x6e: {  	_ =	shalt  }
0x6f: {  	_ =	shalt  }
0x70: {  	_ =	shalt  }
0x71: {  	_ =	shalt  }
0x72: {  	_ =	shalt  }
0x73: {  	_ =	shalt  }
0x74: {  	_ =	shalt  }
0x75: {  	_ =	shalt  }
0x76: {  	_ =	shalt  }
0x77: {  	_ =	shalt  }
0x78: {  	_ =	shalt  }
0x79: {  	_ =	shalt  }
0x7a: {  	_ =	shalt  }
0x7b: {  	_ =	shalt  }
0x7c: {  	_ =	shalt  }
0x7d: {  	_ =	shalt  }
0x7e: {  	_ =	shalt  }
0x7f: {  	_ =	shalt  }
0x80: {  	_ =	shalt  }
0x81: {  	_ =	shalt  }
0x82: {  	_ =	shalt  }
0x83: {  	_ =	shalt  }
0x84: {  	_ =	shalt  }
0x85: {  	_ =	shalt  }
0x86: {  	_ =	shalt  }
0x87: {  	_ =	shalt  }
.Lfunc_end0:
.L_simem_size_0:
called_computation_lowered:
.L_overlay_start_0:
0x88: {  	s2 =	sld [smem:$0x3FD9]  }
0x89: {  	s3 =	sld [smem:$0x3FFE];
	_ =	sdelay $0x1  }
0x8a: {  	s1 =	srdreg.scid  }
0x8b: {  	s0 =	sand.u32 $0x1, s1  }
0x8c: {  	s16 =	sshll.u32 s0, $0xA;
	s2 =	sadd.s32 s3, s2  }
0x8d: {  	s2 =	sadd.s32 s2, s16  }
0x8e: {  	[smem:$0x3FB6] =	sst s2  }
0x8f: {  	_ = 	snop  }
0x90: {  	(tm) =	ssettm $0x1  }
0x91: {  	s17 =	sld [smem:$0x3FFB];
	_ =	sdelay $0x3  }
0x92: {  	_ =	strace s17  }
0x93: {  	s2 =	sld [smem:$0x3FFC];
	_ =	sdelay $0x3  }
0x94: {  	_ =	strace s2  }
0x95: {  	s2 =	sld [smem:$0x3FFD];
	_ =	sdelay $0x3  }
0x96: {  	_ =	strace s2  }
0x97: {  	_ =	strace $0x8FFFFFFF  }
0x98: {  	s18 =	sld [smem:$0x3FDB];
	_ =	sdelay $0x1  }
0x99: {  	s19 =	simm.s32 $_scs_section_size  }
0x9a: {  	s4 =	simm.s32 $_size__tile_overlayer_lowered;
	s5 =	simm.s32 $_tile_overlayer_lowered  }
0x9b: {  	s22 =	simm.s32 $0x1BFF;
	s21 =	sshll.u32 s5, $0x1;
	s2 =	sadd.s32 s19, s18  }
0x9c: {  	s6 =	simm.s32 $0x0;
	s20 =	sshll.u32 s4, $0x1;
	s4 =	sadd.s32 s21, s2  }
0x9d: {  	[timem:s6], [sflag:s22] =	dma.local [hbm:s4], s20  }
0x9e: {  	_ =	swait.ge [sflag:s22], s20  }
0x9f: {  	s3 =	ssub.s32 $0x0, s20;
	[sflag:s22] =	ssyncset.done $0x0  }
0xa0: {  	[sflag:s22] =	ssyncadd.s32 s3;
	_ =	sdelay $0x1  }
0xa1: {  	s23 =	simm.s32 $0x1B8B  }
0xa2: {  	_ =	swait.ge [sflag:s23], $0x1  }
0xa3: {  	[sflag:s23] =	ssyncset.done $0x0  }
0xa4: {  	s25 =	simm.s32 $0x1B8E;
	s24 =	sld [smem:$0x3FFE];
	[sflag:s23] =	ssyncadd.s32 $0xFFFFFFFF  }
0xa5: {  	s26 =	simm.s32 $execute0_lowered;
	[smem:$0x3FD2] =	sst s25  }
0xa6: {  	s4 =	sshll.u32 s26, $0x1;
	_ =	strace $0x80000046;
	[dreg:$0x1] =	wrdreg $0xFFFFFFFF  }
0xa7: {  	s28 =	simm.s32 $_size_execute0_lowered;
	s2 =	sadd.s32 s2, s4;
	[dreg:$0x0] =	wrdreg $0x0  }
0xa8: {  	s4 =	sshll.u32 s28, $0x1;
	[dreg:$0x2] =	wrdreg s2  }
0xa9: {  	[dreg:$0x3] =	wrdreg s4  }
0xaa: {  	[dreg:$0x4] =	wrdreg $0xC0  }
0xab: {  	_ =	task [dreg:s6], $0x5FFFF  }
0xac: {  	[dreg:$0x1] =	wrdreg $0xFFFFFFFF  }
0xad: {  	[dreg:$0x0] =	wrdreg $0x60  }
0xae: {  	[dreg:$0x2] =	wrdreg s24  }
0xaf: {  	[dreg:$0x3] =	wrdreg $0x9  }
0xb0: {  	_ =	task.clear_ibuf [dreg:s6], $0x4FFFF;
	_ =	strace $0x90000046  }
0xb1: {  	s29 =	simm.s32 $0x9;
	_ =	strace $0x80000048  }
0xb2: {  	_ =	swait.ge [sflag:s29], $0x1  }
0xb3: {  	[sflag:s29] =	ssyncadd.s32 $0xFFFFFFFF  }
0xb4: {  	_ =	strace $0x90000048  }
0xb5: {  	_ =	sfence  }
0xb6: {  	s30 =	sld [smem:$0x0];
	_ =	sdelay $0x2  }
0xb7: {  	s31 =	sshll.u32 s1, $0xD;
	s1 =	sshrl.u32 s1, $0x2  }
0xb8: {  	s3 =	sand.u32 $0x4000, s31;
	s1 =	sadd.s32 s1, s30  }
0xb9: {  	s0 =	sor.u32 s3, s0;
	s1 =	sshll.u32 s1, $0x11  }
0xba: {  	s0 =	sor.u32 s1, s0  }
0xbb: {  	s0 =	sadd.s32 $0x8F2B, s0  }
0xbc: {  	[sflag:s0] =	ssyncadd.remote.s32 $0x1  }
0xbd: {  	_ =	sfence.sel $0xFFFF  }
0xbe: {  	[dreg:$0x0] =	wrdreg $0xFFFFFFFF;
	(pc) =	sbr.abs _section_cstart, $3  }
0xbf: {  	[dreg:$0x1] =	wrdreg $0xFFFFFFFF  }
0xc0: {  	_ =	task.clear_ibuf [dreg:s6], $0x2FFFF;
	_ =	strace $0x9FFFFFFF  }
0xc1: {  	(tm) =	ssettm $0x7FFFFFFF  }
tec
execute0_lowered:
.L_overlay_start_1:
0x0: {  	(tag) =	ssettag $0x1  }
0x1: {  	s0 =	srdreg.scid  }
0x2: {  	s2 =	stileid.u32;
	s1 =	rddreg [dreg:$0x0]  }
0x3: {  	s8 =	simm.s32 $0x2;
	s10 =	simm.s32 $0x880;
	s11 =	simm.s32 $0x1080  }
0x4: {  	s12 =	simm.s32 $0x1880;
	s13 =	simm.s32 $0x2080;
	s14 =	simm.s32 $0x2880  }
0x5: {  	s15 =	simm.s32 $0x3080;
	s16 =	simm.s32 $0x3880;
	s17 =	simm.s32 $0x4080  }
0x6: {  	s18 =	simm.s32 $0x4880;
	s19 =	simm.s32 $0x5080;
	s20 =	simm.s32 $0x5880  }
0x7: {  	s21 =	simm.s32 $0x6080;
	s22 =	simm.s32 $0x6880;
	s23 =	simm.s32 $0x7080  }
0x8: {  	s24 =	simm.s32 $0x7880;
	s28 =	simm.s32 $0x9080;
	s29 =	simm.s32 $0x9880  }
0x9: {  	s30 =	simm.s32 $0xA080;
	s31 =	simm.s32 $0xA880;
	s0 =	sand.u32 $0x1, s0  }
0xa: {  	s3 =	sshll.u32 s2, $0x4;
	s2 =	simm.s32 $0x0;
	s4 =	sshll.u32 s0, $0x3  }
0xb: {  	[smem:$0x7FF] =	sst s2;
	s0 =	ssub.s32 $0x2, s0;
	s3 =	sor.u32 s4, s3  }
0xc: {  	_ =	strace $0x80000047;
	s6 =	sshrl.u32 s0, $0x1;
	s4 =	smul.u32 $0x300, s3  }
0xd: {  	s5 =	sadd.s32 s3, s1;
	s3 =	sadd.s32 $0x30400, s1;
	s0 =	ssub.s32 s0, s6  }
0xe: {  	s25 =	sadd.s32 $0x30200, s5;
	s26 =	sadd.s32 $0x30000, s5;
	s5 =	sadd.s32 $0x30600, s1  }
0xf: {  	v2 =	vlaneseq.u32;
	s6 =	smax.u32 s0, $0x1;
	s4 =	sadd.s32 s1, s4;
	[dreg:$0x3] =	wrdreg s25  }
0x10: {  	vm0 =	vmmov $0xffff;
	v1 =	vshrl.u32 v2, $0x3;
	[dreg:$0x4] =	wrdreg s26;
	s25 =	simm.s32 $0x8080;
	s26 =	simm.s32 $0x8880  }
0x11: {  	v0 =	vand.u32 $0x7, v2;
	v2 =	vor.u32 $0x8, v2;
	v1 =	vmul.u32 $0x8, v1;
	[dreg:$0x2] =	wrdreg s4;
	s4 =	sadd.s32 $0x30500, s1;
	s1 =	simm.s32 $0x1  }
.LBB2_1:
0x12: {  	s9 =	rddreg [dreg:$0x2];
	s0 =	simm.s32 $0x80  }
0x13: {  	[tilespmem:s0], [sflag:$0x2] =	stream.linear.gather [hbm4b:s9+s2], $0xC000, $0x38;
	[tilespmem:$0xC080] =	vst v63  }
0x14: {  	_ =	swait.ge [sflag:s8], $0xC000  }
0x15: {  	[sflag:s8] =	ssyncset.done $0x0  }
0x16: {  	s7 =	rddreg [dreg:$0x3];
	[sflag:s8] =	ssyncadd.s32 $0xFFFF4000  }
0x17: {  	[tilespmem:s2], [sflag:$0x2] =	stream.linear.gather [hbm4b:s7+s2], $0x40, $0x38;
	[tilespmem:$0xC080] =	vst v63  }
0x18: {  	_ =	swait.ge [sflag:s8], $0x40  }
0x19: {  	[sflag:s8] =	ssyncset.done $0x0  }
0x1a: {  	[sflag:s8] =	ssyncadd.s32 $0xFFFFFFC0  }
0x1b: {  	v3 =	vld [tilespmem:$0x0];
	_ =	sdelay $0x4  }
0x1c: {  	v4 =	vshrl.u32 v3, $0x3  }
0x1d: {  	v4 =	vmul.u32 $0x30, v4  }
0x1e: {  	v3 =	vand.u32 $0x7, v3  }
0x1f: {  	v3 =	vor.u32 v3, v4  }
0x20: {  	v4 =	vperm.xlane v3, v0;
	_ =	sdelay $0x1  }
0x21: {  	v4 =	vadd.s32 v1, v4;
	_ =	sdelay $0x3  }
0x22: {  	v3 =	vperm.xlane v3, v2  }
0x23: {  	[hbm4b:s3+s2] =	stream.indirect_vreg.scatter [tilespmem:s0], [sflag:$0x1], $0x80, v4, vm0, $0xb8;
	[tilespmem:$0xC080] =	vst v63  }
0x24: {  	v3 =	vadd.s32 v1, v3  }
0x25: {  	[hbm4b:s4+s2] =	stream.indirect_vreg.scatter [tilespmem:s10], [sflag:$0x1], $0x80, v4, vm0, $0xb8;
	[tilespmem:$0xC080] =	vst v63  }
0x26: {  	_ = 	snop  }
0x27: {  	[hbm4b:s5+s2] =	stream.indirect_vreg.scatter [tilespmem:s11], [sflag:$0x1], $0x80, v4, vm0, $0xb8;
	[tilespmem:$0xC080] =	vst v63  }
0x28: {  	_ = 	snop  }
0x29: {  	[hbm4b:s3+s2] =	stream.indirect_vreg.scatter [tilespmem:s12], [sflag:$0x1], $0x80, v3, vm0, $0xb8;
	[tilespmem:$0xC080] =	vst v63  }
0x2a: {  	_ = 	snop  }
0x2b: {  	[hbm4b:s4+s2] =	stream.indirect_vreg.scatter [tilespmem:s13], [sflag:$0x1], $0x80, v3, vm0, $0xb8;
	[tilespmem:$0xC080] =	vst v63  }
0x2c: {  	_ = 	snop  }
0x2d: {  	[hbm4b:s5+s2] =	stream.indirect_vreg.scatter [tilespmem:s14], [sflag:$0x1], $0x80, v3, vm0, $0xb8;
	[tilespmem:$0xC080] =	vst v63  }
0x2e: {  	v3 =	vld [tilespmem:$0x10];
	_ =	sdelay $0x4  }
0x2f: {  	v57 =	vshrl.u32 v3, $0x3  }
0x30: {  	v4 =	vmul.u32 $0x30, v57  }
0x31: {  	v3 =	vand.u32 $0x7, v3  }
0x32: {  	v3 =	vor.u32 v3, v4  }
0x33: {  	v4 =	vperm.xlane v3, v0;
	_ =	sdelay $0x1  }
0x34: {  	v4 =	vadd.s32 v1, v4;
	_ =	sdelay $0x3  }
0x35: {  	v3 =	vperm.xlane v3, v2  }
0x36: {  	[hbm4b:s3+s2] =	stream.indirect_vreg.scatter [tilespmem:s15], [sflag:$0x1], $0x80, v4, vm0, $0xb8;
	[tilespmem:$0xC080] =	vst v63  }
0x37: {  	v3 =	vadd.s32 v1, v3  }
0x38: {  	[hbm4b:s4+s2] =	stream.indirect_vreg.scatter [tilespmem:s16], [sflag:$0x1], $0x80, v4, vm0, $0xb8;
	[tilespmem:$0xC080] =	vst v63  }
0x39: {  	_ = 	snop  }
0x3a: {  	[hbm4b:s5+s2] =	stream.indirect_vreg.scatter [tilespmem:s17], [sflag:$0x1], $0x80, v4, vm0, $0xb8;
	[tilespmem:$0xC080] =	vst v63  }
0x3b: {  	_ = 	snop  }
0x3c: {  	[hbm4b:s3+s2] =	stream.indirect_vreg.scatter [tilespmem:s18], [sflag:$0x1], $0x80, v3, vm0, $0xb8;
	[tilespmem:$0xC080] =	vst v63  }
0x3d: {  	_ = 	snop  }
0x3e: {  	[hbm4b:s4+s2] =	stream.indirect_vreg.scatter [tilespmem:s19], [sflag:$0x1], $0x80, v3, vm0, $0xb8;
	[tilespmem:$0xC080] =	vst v63  }
0x3f: {  	_ = 	snop  }
0x40: {  	[hbm4b:s5+s2] =	stream.indirect_vreg.scatter [tilespmem:s20], [sflag:$0x1], $0x80, v3, vm0, $0xb8;
	[tilespmem:$0xC080] =	vst v63  }
0x41: {  	v3 =	vld [tilespmem:$0x20];
	_ =	sdelay $0x4  }
0x42: {  	v58 =	vshrl.u32 v3, $0x3  }
0x43: {  	v4 =	vmul.u32 $0x30, v58  }
0x44: {  	v3 =	vand.u32 $0x7, v3  }
0x45: {  	v3 =	vor.u32 v3, v4  }
0x46: {  	v4 =	vperm.xlane v3, v0;
	_ =	sdelay $0x1  }
0x47: {  	v4 =	vadd.s32 v1, v4;
	_ =	sdelay $0x3  }
0x48: {  	v3 =	vperm.xlane v3, v2  }
0x49: {  	[hbm4b:s3+s2] =	stream.indirect_vreg.scatter [tilespmem:s21], [sflag:$0x1], $0x80, v4, vm0, $0xb8;
	[tilespmem:$0xC080] =	vst v63  }
0x4a: {  	v3 =	vadd.s32 v1, v3  }
0x4b: {  	[hbm4b:s4+s2] =	stream.indirect_vreg.scatter [tilespmem:s22], [sflag:$0x1], $0x80, v4, vm0, $0xb8;
	[tilespmem:$0xC080] =	vst v63  }
0x4c: {  	_ = 	snop  }
0x4d: {  	[hbm4b:s5+s2] =	stream.indirect_vreg.scatter [tilespmem:s23], [sflag:$0x1], $0x80, v4, vm0, $0xb8;
	[tilespmem:$0xC080] =	vst v63  }
0x4e: {  	_ = 	snop  }
0x4f: {  	[hbm4b:s3+s2] =	stream.indirect_vreg.scatter [tilespmem:s24], [sflag:$0x1], $0x80, v3, vm0, $0xb8;
	[tilespmem:$0xC080] =	vst v63  }
0x50: {  	_ = 	snop  }
0x51: {  	[hbm4b:s4+s2] =	stream.indirect_vreg.scatter [tilespmem:s25], [sflag:$0x1], $0x80, v3, vm0, $0xb8;
	[tilespmem:$0xC080] =	vst v63  }
0x52: {  	_ = 	snop  }
0x53: {  	[hbm4b:s5+s2] =	stream.indirect_vreg.scatter [tilespmem:s26], [sflag:$0x1], $0x80, v3, vm0, $0xb8;
	[tilespmem:$0xC080] =	vst v63  }
0x54: {  	v3 =	vld [tilespmem:$0x30];
	_ =	sdelay $0x4  }
0x55: {  	v59 =	vshrl.u32 v3, $0x3  }
0x56: {  	v4 =	vmul.u32 $0x30, v59  }
0x57: {  	v3 =	vand.u32 $0x7, v3  }
0x58: {  	v3 =	vor.u32 v3, v4  }
0x59: {  	v4 =	vperm.xlane v3, v0;
	_ =	sdelay $0x1  }
0x5a: {  	v4 =	vadd.s32 v1, v4;
	_ =	sdelay $0x3  }
0x5b: {  	v3 =	vperm.xlane v3, v2  }
0x5c: {  	[hbm4b:s3+s2] =	stream.indirect_vreg.scatter [tilespmem:s28], [sflag:$0x1], $0x80, v4, vm0, $0xb8;
	[tilespmem:$0xC080] =	vst v63  }
0x5d: {  	v3 =	vadd.s32 v1, v3  }
0x5e: {  	[hbm4b:s4+s2] =	stream.indirect_vreg.scatter [tilespmem:s29], [sflag:$0x1], $0x80, v4, vm0, $0xb8;
	[tilespmem:$0xC080] =	vst v63  }
0x5f: {  	_ = 	snop  }
0x60: {  	[hbm4b:s5+s2] =	stream.indirect_vreg.scatter [tilespmem:s30], [sflag:$0x1], $0x80, v4, vm0, $0xb8;
	[tilespmem:$0xC080] =	vst v63  }
0x61: {  	_ = 	snop  }
0x62: {  	[hbm4b:s3+s2] =	stream.indirect_vreg.scatter [tilespmem:s31], [sflag:$0x1], $0x80, v3, vm0, $0xb8;
	[tilespmem:$0xC080] =	vst v63  }
0x63: {  	s7 =	simm.s32 $0xB080  }
0x64: {  	[hbm4b:s4+s2] =	stream.indirect_vreg.scatter [tilespmem:s7], [sflag:$0x1], $0x80, v3, vm0, $0xb8;
	[tilespmem:$0xC080] =	vst v63  }
0x65: {  	s7 =	simm.s32 $0xB880  }
0x66: {  	[hbm4b:s5+s2] =	stream.indirect_vreg.scatter [tilespmem:s7], [sflag:$0x1], $0x80, v3, vm0, $0xb8;
	[tilespmem:$0xC080] =	vst v63  }
0x67: {  	_ =	swait.ge [sflag:s1], $0xC000  }
0x68: {  	[sflag:s1] =	ssyncset.done $0x0  }
0x69: {  	s9 =	rddreg [dreg:$0x4];
	[sflag:s1] =	ssyncadd.s32 $0xFFFF4000  }
0x6a: {  	[tilespmem:s2], [sflag:$0x2] =	stream.linear.gather [hbm4b:s9+s2], $0x40, $0x38;
	[tilespmem:$0xC080] =	vst v63  }
0x6b: {  	_ =	swait.ge [sflag:s8], $0x40  }
0x6c: {  	[sflag:s8] =	ssyncset.done $0x0  }
0x6d: {  	[sflag:s8] =	ssyncadd.s32 $0xFFFFFFC0  }
0x6e: {  	v3 =	vld [tilespmem:$0x0];
	_ =	sdelay $0x4  }
0x6f: {  	v60 =	vshrl.u32 v3, $0x3  }
0x70: {  	v4 =	vmul.u32 $0x30, v60  }
0x71: {  	v3 =	vand.u32 $0x7, v3  }
0x72: {  	v3 =	vor.u32 v3, v4  }
0x73: {  	v4 =	vperm.xlane v3, v0;
	_ =	sdelay $0x1  }
0x74: {  	v4 =	vadd.s32 v1, v4;
	_ =	sdelay $0x3  }
0x75: {  	v3 =	vperm.xlane v3, v2  }
0x76: {  	[hbm4b:s3+s2] =	stream.indirect_vreg.scatter [tilespmem:s0], [sflag:$0x1], $0x80, v4, vm0, $0xb8;
	[tilespmem:$0xC080] =	vst v63  }
0x77: {  	v3 =	vadd.s32 v1, v3  }
0x78: {  	[hbm4b:s4+s2] =	stream.indirect_vreg.scatter [tilespmem:s10], [sflag:$0x1], $0x80, v4, vm0, $0xb8;
	[tilespmem:$0xC080] =	vst v63  }
0x79: {  	_ = 	snop  }
0x7a: {  	[hbm4b:s5+s2] =	stream.indirect_vreg.scatter [tilespmem:s11], [sflag:$0x1], $0x80, v4, vm0, $0xb8;
	[tilespmem:$0xC080] =	vst v63  }
0x7b: {  	_ = 	snop  }
0x7c: {  	[hbm4b:s3+s2] =	stream.indirect_vreg.scatter [tilespmem:s12], [sflag:$0x1], $0x80, v3, vm0, $0xb8;
	[tilespmem:$0xC080] =	vst v63  }
0x7d: {  	_ = 	snop  }
0x7e: {  	[hbm4b:s4+s2] =	stream.indirect_vreg.scatter [tilespmem:s13], [sflag:$0x1], $0x80, v3, vm0, $0xb8;
	[tilespmem:$0xC080] =	vst v63  }
0x7f: {  	_ = 	snop  }
0x80: {  	[hbm4b:s5+s2] =	stream.indirect_vreg.scatter [tilespmem:s14], [sflag:$0x1], $0x80, v3, vm0, $0xb8;
	[tilespmem:$0xC080] =	vst v63  }
0x81: {  	v3 =	vld [tilespmem:$0x10];
	_ =	sdelay $0x4  }
0x82: {  	v61 =	vshrl.u32 v3, $0x3  }
0x83: {  	v4 =	vmul.u32 $0x30, v61  }
0x84: {  	v3 =	vand.u32 $0x7, v3  }
0x85: {  	v3 =	vor.u32 v3, v4  }
0x86: {  	v4 =	vperm.xlane v3, v0;
	_ =	sdelay $0x1  }
0x87: {  	v4 =	vadd.s32 v1, v4;
	_ =	sdelay $0x3  }
0x88: {  	v3 =	vperm.xlane v3, v2  }
0x89: {  	[hbm4b:s3+s2] =	stream.indirect_vreg.scatter [tilespmem:s15], [sflag:$0x1], $0x80, v4, vm0, $0xb8;
	[tilespmem:$0xC080] =	vst v63  }
0x8a: {  	v3 =	vadd.s32 v1, v3  }
0x8b: {  	[hbm4b:s4+s2] =	stream.indirect_vreg.scatter [tilespmem:s16], [sflag:$0x1], $0x80, v4, vm0, $0xb8;
	[tilespmem:$0xC080] =	vst v63  }
0x8c: {  	_ = 	snop  }
0x8d: {  	[hbm4b:s5+s2] =	stream.indirect_vreg.scatter [tilespmem:s17], [sflag:$0x1], $0x80, v4, vm0, $0xb8;
	[tilespmem:$0xC080] =	vst v63  }
0x8e: {  	_ = 	snop  }
0x8f: {  	[hbm4b:s3+s2] =	stream.indirect_vreg.scatter [tilespmem:s18], [sflag:$0x1], $0x80, v3, vm0, $0xb8;
	[tilespmem:$0xC080] =	vst v63  }
0x90: {  	_ = 	snop  }
0x91: {  	[hbm4b:s4+s2] =	stream.indirect_vreg.scatter [tilespmem:s19], [sflag:$0x1], $0x80, v3, vm0, $0xb8;
	[tilespmem:$0xC080] =	vst v63  }
0x92: {  	_ = 	snop  }
0x93: {  	[hbm4b:s5+s2] =	stream.indirect_vreg.scatter [tilespmem:s20], [sflag:$0x1], $0x80, v3, vm0, $0xb8;
	[tilespmem:$0xC080] =	vst v63  }
0x94: {  	v3 =	vld [tilespmem:$0x20];
	_ =	sdelay $0x4  }
0x95: {  	v62 =	vshrl.u32 v3, $0x3  }
0x96: {  	v4 =	vmul.u32 $0x30, v62  }
0x97: {  	v3 =	vand.u32 $0x7, v3  }
0x98: {  	v3 =	vor.u32 v3, v4  }
0x99: {  	v4 =	vperm.xlane v3, v0;
	_ =	sdelay $0x1  }
0x9a: {  	v4 =	vadd.s32 v1, v4;
	_ =	sdelay $0x3  }
0x9b: {  	v3 =	vperm.xlane v3, v2  }
0x9c: {  	[hbm4b:s3+s2] =	stream.indirect_vreg.scatter [tilespmem:s21], [sflag:$0x1], $0x80, v4, vm0, $0xb8;
	[tilespmem:$0xC080] =	vst v63  }
0x9d: {  	v3 =	vadd.s32 v1, v3  }
0x9e: {  	[hbm4b:s4+s2] =	stream.indirect_vreg.scatter [tilespmem:s22], [sflag:$0x1], $0x80, v4, vm0, $0xb8;
	[tilespmem:$0xC080] =	vst v63  }
0x9f: {  	_ = 	snop  }
0xa0: {  	[hbm4b:s5+s2] =	stream.indirect_vreg.scatter [tilespmem:s23], [sflag:$0x1], $0x80, v4, vm0, $0xb8;
	[tilespmem:$0xC080] =	vst v63  }
0xa1: {  	_ = 	snop  }
0xa2: {  	[hbm4b:s3+s2] =	stream.indirect_vreg.scatter [tilespmem:s24], [sflag:$0x1], $0x80, v3, vm0, $0xb8;
	[tilespmem:$0xC080] =	vst v63  }
0xa3: {  	_ = 	snop  }
0xa4: {  	[hbm4b:s4+s2] =	stream.indirect_vreg.scatter [tilespmem:s25], [sflag:$0x1], $0x80, v3, vm0, $0xb8;
	[tilespmem:$0xC080] =	vst v63  }
0xa5: {  	_ = 	snop  }
0xa6: {  	[hbm4b:s5+s2] =	stream.indirect_vreg.scatter [tilespmem:s26], [sflag:$0x1], $0x80, v3, vm0, $0xb8;
	[tilespmem:$0xC080] =	vst v63  }
0xa7: {  	v3 =	vld [tilespmem:$0x30];
	_ =	sdelay $0x4  }
0xa8: {  	v63 =	vshrl.u32 v3, $0x3  }
0xa9: {  	v4 =	vmul.u32 $0x30, v63  }
0xaa: {  	v3 =	vand.u32 $0x7, v3  }
0xab: {  	v3 =	vor.u32 v3, v4  }
0xac: {  	v4 =	vperm.xlane v3, v0;
	_ =	sdelay $0x1  }
0xad: {  	v4 =	vadd.s32 v1, v4;
	_ =	sdelay $0x3  }
0xae: {  	v3 =	vperm.xlane v3, v2  }
0xaf: {  	[hbm4b:s3+s2] =	stream.indirect_vreg.scatter [tilespmem:s28], [sflag:$0x1], $0x80, v4, vm0, $0xb8;
	[tilespmem:$0xC080] =	vst v63  }
0xb0: {  	v3 =	vadd.s32 v1, v3  }
0xb1: {  	[hbm4b:s4+s2] =	stream.indirect_vreg.scatter [tilespmem:s29], [sflag:$0x1], $0x80, v4, vm0, $0xb8;
	[tilespmem:$0xC080] =	vst v63  }
0xb2: {  	_ = 	snop  }
0xb3: {  	[hbm4b:s5+s2] =	stream.indirect_vreg.scatter [tilespmem:s30], [sflag:$0x1], $0x80, v4, vm0, $0xb8;
	[tilespmem:$0xC080] =	vst v63  }
0xb4: {  	_ = 	snop  }
0xb5: {  	[hbm4b:s3+s2] =	stream.indirect_vreg.scatter [tilespmem:s31], [sflag:$0x1], $0x80, v3, vm0, $0xb8;
	[tilespmem:$0xC080] =	vst v63  }
0xb6: {  	p0 =	sne.s32 s6, $0x1;
	s9 =	simm.s32 $0xB080  }
0xb7: {  	[hbm4b:s4+s2] =	stream.indirect_vreg.scatter [tilespmem:s9], [sflag:$0x1], $0x80, v3, vm0, $0xb8;
	[tilespmem:$0xC080] =	vst v63  }
.Ltmp0:
0xb8: {  	_ = 	snop;
	(pc) =	sbr.rel @p0 .LBB2_1-.Ltmp0, $4  }
0xb9: {  	[hbm4b:s5+s2] =	stream.indirect_vreg.scatter [tilespmem:s7], [sflag:$0x1], $0x80, v3, vm0, $0xb8;
	[tilespmem:$0xC080] =	vst v63  }
0xba: {  	_ =	swait.ge [sflag:s1], $0xC000  }
0xbb: {  	[sflag:s1] =	ssyncset.done $0x0  }
0xbc: {  	s6 =	sadd.s32 $0xFFFFFFFF, s6;
	[sflag:s1] =	ssyncadd.s32 $0xFFFF4000  }
0xbd: {  	_ =	sfence.sel $0x180000  }
0xbe: {  	[bflag:$0x0] =	sbarrier.arrive $0xFFFF  }
0xbf: {  	_ =	strace $0x90000047  }
0xc0: {  	s0 =	stileid.u32;
	[bflag:$0x2] =	sbarrier.arrive $0xFFFF  }
0xc1: {  	p0 =	sne.s32 s0, $0x0;
	s0 =	rddreg [dreg:$0x1]  }
0xc2: {  	s0 =	sadd.s32 @!p0 $0x100000, s0  }
0xc3: {  	[sflag:s0] =	ssyncadd.tile.s32 @!p0 $0x1;
	_ =	shalt  }
.Lfunc_end2:
_tile_overlayer_lowered:
.L_overlay_start_2:
0xc4: {  	(tag) =	ssettag $0x2  }
0xc5: {  	s0 =	rddreg [dreg:$0x0];
	s2 =	stileid.u32  }
0xc6: {  	s1 =	rddreg [dreg:$0x1];
	p0 =	sne.s32 s2, $0x0  }
0xc7: {  	s3 =	rddreg [dreg:$0x2];
	[bflag:$0x3] =	sbarrier.arrive $0xFFFF;
	s2 =	simm.s32 @!p0 $0x1C02  }
0xc8: {  	[timem:s3], [sflag:s2] =	dma.local @!p0 [hbm:s0], s1  }
0xc9: {  	s0 =	simm.s32 @!p0 $0x2  }
0xca: {  	_ =	swait.ge @!p0 [sflag:s0], s1  }
0xcb: {  	s1 =	ssub.s32 @!p0 $0x0, s1;
	[sflag:s0] =	ssyncset.done @!p0 $0x0  }
0xcc: {  	[sflag:s0] =	ssyncadd.s32 @!p0 s1  }
0xcd: {  	[bflag:$0x3] =	sbarrier.arrive $0xFFFF  }
0xce: {  	_ =	shalt  }

</sc_bundles>
